<compile_context>
chip_gen: v7x
topology: tpu7x:2x2x1
jax: 0.10.2.dev20260603
libtpu: 0.0.44.dev20260713+nightly
codegen_flags: <defaults>
</compile_context>

<pallas_src>
import functools

import jax
import jax.numpy as jnp
from jax import lax
from jax.experimental import pallas as pl
from jax.experimental.pallas import tpu as pltpu
from jax.experimental.pallas import tpu_sc as plsc

_NC = 2
_NS = 16
_NW = _NC * _NS
_LANES = 16
_CHUNK = 8192
_STAGE = 12288
_UNROLL = 8


def _vec_loop(n_vec, body_u):
    n_outer = n_vec // _UNROLL
    if n_outer > 0:
        def outer(i, carry):
            b = i * (_LANES * _UNROLL)
            for u in range(_UNROLL):
                body_u(b + u * _LANES)
            return carry
        lax.fori_loop(0, n_outer, outer, 0, unroll=False)
    for u in range(n_vec % _UNROLL):
        body_u(n_outer * _LANES * _UNROLL + u * _LANES)


@functools.lru_cache(maxsize=None)
def _build(E, K):
    C = _CHUNK
    S = _STAGE
    assert S <= E and S % 8 == 0 and E % 8 == 0
    nc_full = K // C
    rem = K - nc_full * C
    n_vec_c = C // _LANES
    n_vec_t = (rem + _LANES - 1) // _LANES
    mesh = plsc.VectorSubcoreMesh(core_axis_name="c", subcore_axis_name="s")

    @functools.partial(
        pl.kernel,
        out_type=[
            jax.ShapeDtypeStruct((K,), jnp.int32),
            jax.ShapeDtypeStruct((K,), jnp.int32),
            jax.ShapeDtypeStruct((K,), jnp.float32),
        ],
        mesh=mesh,
        compiler_params=pltpu.CompilerParams(needs_layout_passes=False),
        scratch_types=[
            pltpu.VMEM((C,), jnp.int32),
            pltpu.VMEM((S,), jnp.float32),
            pltpu.VMEM((S,), jnp.int32),
            pltpu.VMEM((S,), jnp.int32),
            pltpu.VMEM((C,), jnp.float32),
            pltpu.VMEM((C,), jnp.int32),
            pltpu.VMEM((C,), jnp.int32),
            pltpu.VMEM((_LANES,), jnp.float32),
            pltpu.SemaphoreType.DMA,
            pltpu.SemaphoreType.DMA,
        ],
    )
    def sc_kernel(vals_hbm, row0_hbm, row1_hbm, kept_hbm, inv_hbm,
                  out_r0_hbm, out_r1_hbm, out_vals_hbm,
                  idx_v, st_v, st_r0, st_r1,
                  ov_v, ov_r0, ov_r1, inv_v, sg, sw):
        w = lax.axis_index("s") * _NC + lax.axis_index("c")
        pltpu.sync_copy(inv_hbm, inv_v)
        inv = inv_v[...]

        def process(base, n, n_vec, clamp):
            pltpu.sync_copy(kept_hbm.at[pl.ds(base, n)], idx_v.at[pl.ds(0, n)])
            first = idx_v[pl.ds(0, _LANES)][0]
            ls = max(0, n - _LANES)
            last = idx_v[pl.ds(ls, _LANES)][n - 1 - ls]
            fa = jnp.minimum(first >> 3, (E - S) // 8) * 8
            fast = (last - fa) < S

            @pl.when(fast)
            def _fast():
                cps = (
                    pltpu.async_copy(vals_hbm.at[pl.ds(fa, S)], st_v, sg),
                    pltpu.async_copy(row0_hbm.at[pl.ds(fa, S)], st_r0, sg),
                    pltpu.async_copy(row1_hbm.at[pl.ds(fa, S)], st_r1, sg),
                )
                for cp in cps:
                    cp.wait()

                def body(s):
                    li = idx_v[pl.ds(s, _LANES)] - fa
                    if clamp:
                        li = jnp.clip(li, 0, S - 1)
                    ov_v[pl.ds(s, _LANES)] = plsc.load_gather(st_v, [li]) * inv
                    ov_r0[pl.ds(s, _LANES)] = plsc.load_gather(st_r0, [li])
                    ov_r1[pl.ds(s, _LANES)] = plsc.load_gather(st_r1, [li])
                _vec_loop(n_vec, body)

            @pl.when(jnp.logical_not(fast))
            def _slow():
                cps = (
                    pltpu.async_copy(vals_hbm.at[idx_v.at[pl.ds(0, n)]],
                                     ov_v.at[pl.ds(0, n)], sg),
                    pltpu.async_copy(row0_hbm.at[idx_v.at[pl.ds(0, n)]],
                                     ov_r0.at[pl.ds(0, n)], sg),
                    pltpu.async_copy(row1_hbm.at[idx_v.at[pl.ds(0, n)]],
                                     ov_r1.at[pl.ds(0, n)], sg),
                )
                for cp in cps:
                    cp.wait()

                def scale(s):
                    ov_v[pl.ds(s, _LANES)] = ov_v[pl.ds(s, _LANES)] * inv
                _vec_loop(n_vec, scale)

            wps = (
                pltpu.async_copy(ov_r0.at[pl.ds(0, n)],
                                 out_r0_hbm.at[pl.ds(base, n)], sw),
                pltpu.async_copy(ov_r1.at[pl.ds(0, n)],
                                 out_r1_hbm.at[pl.ds(base, n)], sw),
                pltpu.async_copy(ov_v.at[pl.ds(0, n)],
                                 out_vals_hbm.at[pl.ds(base, n)], sw),
            )
            for wp in wps:
                wp.wait()

        n_base = nc_full // _NW
        n_extra = nc_full % _NW
        n_w = n_base + jnp.where(w < n_extra, 1, 0)

        def chunk_body(i, carry):
            process((w + i * _NW) * C, C, n_vec_c, False)
            return carry
        lax.fori_loop(0, n_w, chunk_body, 0, unroll=False)

        if rem > 0:
            @pl.when(w == _NW - 1)
            def _tail():
                process(nc_full * C, rem, n_vec_t, True)

    return sc_kernel


def kernel(vals, idxs, kept_idx, keepRate):
    E = vals.shape[0]
    K = kept_idx.shape[0]
    inv = jnp.full((_LANES,), 1.0, dtype=jnp.float32) / jnp.asarray(
        keepRate, dtype=jnp.float32)
    out_r0, out_r1, out_vals = _build(E, K)(
        vals, idxs[0], idxs[1], kept_idx, inv)
    return (jnp.stack([out_r0, out_r1]), out_vals)

# --- scband reference (transcript-rebuilt; emitter-appended) ---
"""Pipeline reference for scband-sp-adj-drop-edge-4355096839066 (READ-ONLY COPY).

The authoritative reference and input builder live on the scoring server;
editing this copy changes nothing except your own understanding.
"""

import jax, jax.numpy as jnp
import numpy as np

N_NODES = 100000
N_EDGES = 6400000
KEEP_RATE = 0.8


def _make_mask():
    # Deterministic drop-edge mask, mirrors torch: (rand(E) + keepRate).floor().bool()
    rng = np.random.default_rng(0)
    mask = np.floor(rng.random(N_EDGES) + KEEP_RATE).astype(bool)
    return mask


def setup_inputs(seed: int = 0) -> dict:
    key = jax.random.key(seed)
    k1, k2 = jax.random.split(key)
    vals = jax.random.uniform(k1, (N_EDGES,), dtype=jnp.float32)
    idxs = jax.random.randint(k2, (2, N_EDGES), 0, N_NODES, dtype=jnp.int32)
    mask = _make_mask()
    # Precompute kept edge positions so the op is a static-shape gather
    # (boolean masking has dynamic shape and cannot be traced/vjp'd).
    kept_idx = jnp.asarray(np.nonzero(mask)[0].astype(np.int32))
    return {"vals": vals, "idxs": idxs, "kept_idx": kept_idx, "keepRate": KEEP_RATE}


def reference(vals, idxs, kept_idx, keepRate):
    # SpAdjDropEdge.forward: keep a random subset of edges, rescale values by 1/keepRate.
    newVals = jnp.take(vals, kept_idx, axis=0) / keepRate
    newIdxs = jnp.take(idxs, kept_idx, axis=1)
    # Returned pair represents sparse COO tensor of shape (N_NODES, N_NODES)
    return (newIdxs, newVals)

if __name__ == "__main__":
    import jax
    _d = setup_inputs()
    print(jax.jit(kernel)(*tuple(_d.values())))

</pallas_src>

<mosaic_0001>
#map = affine_map<(d0, d1) -> (0)>
module attributes {stable_mosaic.version = 14 : i64} {
  func.func @sc_kernel(%arg0: i32, %arg1: i32, %arg2: memref<6400000xf32, #tpu.memory_space<hbm>>, %arg3: memref<6400000xi32, #tpu.memory_space<hbm>>, %arg4: memref<6400000xi32, #tpu.memory_space<hbm>>, %arg5: memref<5119385xi32, #tpu.memory_space<hbm>>, %arg6: memref<16xf32, #tpu.memory_space<hbm>>, %arg7: memref<5119385xi32, #tpu.memory_space<hbm>>, %arg8: memref<5119385xi32, #tpu.memory_space<hbm>>, %arg9: memref<5119385xf32, #tpu.memory_space<hbm>>, %arg10: memref<8192xi32, #tpu.memory_space<vmem>>, %arg11: memref<12288xf32, #tpu.memory_space<vmem>>, %arg12: memref<12288xi32, #tpu.memory_space<vmem>>, %arg13: memref<12288xi32, #tpu.memory_space<vmem>>, %arg14: memref<8192xf32, #tpu.memory_space<vmem>>, %arg15: memref<8192xi32, #tpu.memory_space<vmem>>, %arg16: memref<8192xi32, #tpu.memory_space<vmem>>, %arg17: memref<16xf32, #tpu.memory_space<vmem>>, %arg18: memref<!tpu.dma_semaphore, #tpu.memory_space<semaphore_mem>>, %arg19: memref<!tpu.dma_semaphore, #tpu.memory_space<semaphore_mem>>) attributes {dimension_semantics = [#tpu.dimension_semantics<core_parallel>, #tpu.dimension_semantics<subcore_parallel>], iteration_bounds = array<i64: 2, 16>, scalar_prefetch = 0 : i64, scratch_operands = 10 : i64, tpu.core_type = #tpu.core_type<sc_vector_subcore>, window_params = [{transform_indices = #map}, {transform_indices = #map}, {transform_indices = #map}, {transform_indices = #map}, {transform_indices = #map}, {transform_indices = #map}, {transform_indices = #map}, {transform_indices = #map}]} {
    %mul3A = arith.constant 2 : i32
    %mul3A_0 = arith.muli %arg1, %mul3A : i32
    %add3A = arith.addi %mul3A_0, %arg0 : i32
    "tpu.region"() ({
      %run_scoped3A = tpu.sem_alloc : memref<!tpu.dma_semaphore, #tpu.memory_space<semaphore_mem>>
      tpu.enqueue_dma source(%arg6 : memref<16xf32, #tpu.memory_space<hbm>>) target(%arg17 : memref<16xf32, #tpu.memory_space<vmem>>) target_semaphore(%run_scoped3A : memref<!tpu.dma_semaphore, #tpu.memory_space<semaphore_mem>>)
      tpu.wait_dma2 semaphore(%run_scoped3A : memref<!tpu.dma_semaphore, #tpu.memory_space<semaphore_mem>>) src(%arg6 : memref<16xf32, #tpu.memory_space<hbm>>) dst(%arg17 : memref<16xf32, #tpu.memory_space<vmem>>)
      tpu.yield
    }) : () -> ()
    %get3A = arith.constant 0 : index
    %get3A_1 = tpu.vector_load %arg17[%get3A] {strides = array<i32>} : memref<16xf32, #tpu.memory_space<vmem>>, vector<16xf32>,
    %lt3A = arith.constant 16 : i32
    %lt3A_2 = arith.cmpi slt, %add3A, %lt3A : i32
    %jit3A = arith.constant 1 : i32
    %jit3A_3 = arith.constant 0 : i32
    %select_n3A = arith.select %lt3A_2, %jit3A, %jit3A_3 : i32
    %add3A_4 = arith.constant 19 : i32
    %add3A_5 = arith.addi %add3A_4, %select_n3A : i32
    %while3A = arith.constant 0 : i32
    %while3A_6 = arith.constant 0 : i32
    %while3A_7 = arith.subi %add3A_5, %while3A_6 : i32
    %while3A_8 = arith.addi %while3A_6, %while3A_7 : i32
    %while3A_9 = arith.constant 1 : i32
    %while3A_10 = arith.divsi %while3A_7, %while3A_9 : i32
    %while3A_11 = arith.muli %while3A_10, %while3A_9 : i32
    %while3A_12 = arith.addi %while3A_6, %while3A_11 : i32
    %while3A_13 = arith.constant 1 : i32
    scf.for %while3A_17 = %while3A_6 to %while3A_12 step %while3A_13  : i32 {
      %mul3A_18 = arith.constant 32 : i32
      %mul3A_19 = arith.muli %while3A_17, %mul3A_18 : i32
      %add3A_20 = arith.addi %add3A, %mul3A_19 : i32
      %mul3A_21 = arith.constant 8192 : i32
      %mul3A_22 = arith.muli %add3A_20, %mul3A_21 : i32
      "tpu.region"() ({
        %run_scoped3A = tpu.sem_alloc : memref<!tpu.dma_semaphore, #tpu.memory_space<semaphore_mem>>
        %dma_start3A_76 = arith.constant 0 : i32
        %dma_start3A_77 = tpu.memref_slice %arg10[%dma_start3A_76] : memref<8192xi32, #tpu.memory_space<vmem>> -> memref<8192xi32, #tpu.memory_space<vmem>>
        %dma_start3A_78 = tpu.memref_slice %arg5[%mul3A_22] : memref<5119385xi32, #tpu.memory_space<hbm>> -> memref<8192xi32, #tpu.memory_space<hbm>>
        %dma_start3A_79 = arith.constant 0 : i32
        %dma_start3A_80 = tpu.memref_slice %arg10[%dma_start3A_79] : memref<8192xi32, #tpu.memory_space<vmem>> -> memref<8192xi32, #tpu.memory_space<vmem>>
        %dma_start3A_81 = tpu.memref_slice %arg5[%mul3A_22] : memref<5119385xi32, #tpu.memory_space<hbm>> -> memref<8192xi32, #tpu.memory_space<hbm>>
        tpu.enqueue_dma source(%dma_start3A_81 : memref<8192xi32, #tpu.memory_space<hbm>>) target(%dma_start3A_80 : memref<8192xi32, #tpu.memory_space<vmem>>) target_semaphore(%run_scoped3A : memref<!tpu.dma_semaphore, #tpu.memory_space<semaphore_mem>>)
        %dma_wait3A_82 = arith.constant 0 : i32
        %dma_wait3A_83 = tpu.memref_slice %arg10[%dma_wait3A_82] : memref<8192xi32, #tpu.memory_space<vmem>> -> memref<8192xi32, #tpu.memory_space<vmem>>
        %dma_wait3A_84 = tpu.memref_slice %arg5[%mul3A_22] : memref<5119385xi32, #tpu.memory_space<hbm>> -> memref<8192xi32, #tpu.memory_space<hbm>>
        %dma_wait3A_85 = arith.constant 0 : i32
        %dma_wait3A_86 = tpu.memref_slice %arg10[%dma_wait3A_85] : memref<8192xi32, #tpu.memory_space<vmem>> -> memref<8192xi32, #tpu.memory_space<vmem>>
        %dma_wait3A_87 = tpu.memref_slice %arg5[%mul3A_22] : memref<5119385xi32, #tpu.memory_space<hbm>> -> memref<8192xi32, #tpu.memory_space<hbm>>
        tpu.wait_dma2 semaphore(%run_scoped3A : memref<!tpu.dma_semaphore, #tpu.memory_space<semaphore_mem>>) src(%dma_wait3A_87 : memref<8192xi32, #tpu.memory_space<hbm>>) dst(%dma_wait3A_86 : memref<8192xi32, #tpu.memory_space<vmem>>)
        tpu.yield
      }) : () -> ()
      %get3A_23 = arith.constant 0 : index
      %get3A_24 = tpu.vector_load %arg10[%get3A_23] {strides = array<i32>} : memref<8192xi32, #tpu.memory_space<vmem>>, vector<16xi32>,
      %slice3A = vector.extract_strided_slice %get3A_24 {offsets = [0], sizes = [1], strides = [1]} : vector<16xi32> to vector<1xi32>
      %squeeze3A = vector.extract %slice3A[0] : i32 from vector<1xi32>
      %get3A_25 = arith.constant 8176 : index
      %get3A_26 = tpu.vector_load %arg10[%get3A_25] {strides = array<i32>} : memref<8192xi32, #tpu.memory_space<vmem>>, vector<16xi32>,
      %slice3A_27 = vector.extract_strided_slice %get3A_26 {offsets = [15], sizes = [1], strides = [1]} : vector<16xi32> to vector<1xi32>
      %squeeze3A_28 = vector.extract %slice3A_27[0] : i32 from vector<1xi32>
      %shift_right_arithmetic3A = arith.constant 3 : i32
      %shift_right_arithmetic3A_29 = arith.shrsi %squeeze3A, %shift_right_arithmetic3A : i32
      %min3A = arith.constant 798464 : i32
      %min3A_30 = arith.minsi %shift_right_arithmetic3A_29, %min3A : i32
      %mul3A_31 = arith.constant 8 : i32
      %mul3A_32 = arith.muli %min3A_30, %mul3A_31 : i32
      %sub3A = arith.subi %squeeze3A_28, %mul3A_32 : i32
      %lt3A_33 = arith.constant 12288 : i32
      %lt3A_34 = arith.cmpi slt, %sub3A, %lt3A_33 : i32
      %convert_element_type3A_35 = arith.extui %lt3A_34 : i1 to i32
      %cond3A_36 = arith.constant 0 : i32
      %cond3A_37 = arith.cmpi ne, %convert_element_type3A_35, %cond3A_36 : i32
      scf.if %cond3A_37 {
        %dma_start3A_76 = tpu.memref_slice %arg2[%mul3A_32] : memref<6400000xf32, #tpu.memory_space<hbm>> -> memref<12288xf32, #tpu.memory_space<hbm>>
        %dma_start3A_77 = tpu.memref_slice %arg2[%mul3A_32] : memref<6400000xf32, #tpu.memory_space<hbm>> -> memref<12288xf32, #tpu.memory_space<hbm>>
        tpu.enqueue_dma source(%dma_start3A_77 : memref<12288xf32, #tpu.memory_space<hbm>>) target(%arg11 : memref<12288xf32, #tpu.memory_space<vmem>>) target_semaphore(%arg18 : memref<!tpu.dma_semaphore, #tpu.memory_space<semaphore_mem>>)
        %dma_start3A_78 = tpu.memref_slice %arg3[%mul3A_32] : memref<6400000xi32, #tpu.memory_space<hbm>> -> memref<12288xi32, #tpu.memory_space<hbm>>
        %dma_start3A_79 = tpu.memref_slice %arg3[%mul3A_32] : memref<6400000xi32, #tpu.memory_space<hbm>> -> memref<12288xi32, #tpu.memory_space<hbm>>
        tpu.enqueue_dma source(%dma_start3A_79 : memref<12288xi32, #tpu.memory_space<hbm>>) target(%arg12 : memref<12288xi32, #tpu.memory_space<vmem>>) target_semaphore(%arg18 : memref<!tpu.dma_semaphore, #tpu.memory_space<semaphore_mem>>)
        %dma_start3A_80 = tpu.memref_slice %arg4[%mul3A_32] : memref<6400000xi32, #tpu.memory_space<hbm>> -> memref<12288xi32, #tpu.memory_space<hbm>>
        %dma_start3A_81 = tpu.memref_slice %arg4[%mul3A_32] : memref<6400000xi32, #tpu.memory_space<hbm>> -> memref<12288xi32, #tpu.memory_space<hbm>>
        tpu.enqueue_dma source(%dma_start3A_81 : memref<12288xi32, #tpu.memory_space<hbm>>) target(%arg13 : memref<12288xi32, #tpu.memory_space<vmem>>) target_semaphore(%arg18 : memref<!tpu.dma_semaphore, #tpu.memory_space<semaphore_mem>>)
        %dma_wait3A_82 = tpu.memref_slice %arg2[%mul3A_32] : memref<6400000xf32, #tpu.memory_space<hbm>> -> memref<12288xf32, #tpu.memory_space<hbm>>
        %dma_wait3A_83 = tpu.memref_slice %arg2[%mul3A_32] : memref<6400000xf32, #tpu.memory_space<hbm>> -> memref<12288xf32, #tpu.memory_space<hbm>>
        tpu.wait_dma2 semaphore(%arg18 : memref<!tpu.dma_semaphore, #tpu.memory_space<semaphore_mem>>) src(%dma_wait3A_83 : memref<12288xf32, #tpu.memory_space<hbm>>) dst(%arg11 : memref<12288xf32, #tpu.memory_space<vmem>>)
        %dma_wait3A_84 = tpu.memref_slice %arg3[%mul3A_32] : memref<6400000xi32, #tpu.memory_space<hbm>> -> memref<12288xi32, #tpu.memory_space<hbm>>
        %dma_wait3A_85 = tpu.memref_slice %arg3[%mul3A_32] : memref<6400000xi32, #tpu.memory_space<hbm>> -> memref<12288xi32, #tpu.memory_space<hbm>>
        tpu.wait_dma2 semaphore(%arg18 : memref<!tpu.dma_semaphore, #tpu.memory_space<semaphore_mem>>) src(%dma_wait3A_85 : memref<12288xi32, #tpu.memory_space<hbm>>) dst(%arg12 : memref<12288xi32, #tpu.memory_space<vmem>>)
        %dma_wait3A_86 = tpu.memref_slice %arg4[%mul3A_32] : memref<6400000xi32, #tpu.memory_space<hbm>> -> memref<12288xi32, #tpu.memory_space<hbm>>
        %dma_wait3A_87 = tpu.memref_slice %arg4[%mul3A_32] : memref<6400000xi32, #tpu.memory_space<hbm>> -> memref<12288xi32, #tpu.memory_space<hbm>>
        tpu.wait_dma2 semaphore(%arg18 : memref<!tpu.dma_semaphore, #tpu.memory_space<semaphore_mem>>) src(%dma_wait3A_87 : memref<12288xi32, #tpu.memory_space<hbm>>) dst(%arg13 : memref<12288xi32, #tpu.memory_space<vmem>>)
        %scan3A = arith.constant 0 : i32
        %scan3A_88 = arith.constant 0 : i32
        %scan3A_89 = arith.constant 64 : i32
        %scan3A_90 = arith.addi %scan3A_88, %scan3A_89 : i32
        %scan3A_91 = arith.constant 1 : i32
        scf.for %scan3A_93 = %scan3A_88 to %scan3A_90 step %scan3A_91  : i32 {
          %mul3A_94 = arith.constant 128 : i32
          %mul3A_95 = arith.muli %scan3A_93, %mul3A_94 : i32
          %add3A_96 = arith.constant 0 : i32
          %add3A_97 = arith.addi %mul3A_95, %add3A_96 : i32
          %get3A_98 = arith.index_cast %add3A_97 : i32 to index
          %get3A_99 = tpu.vector_load %arg10[%get3A_98] {strides = array<i32>} : memref<8192xi32, #tpu.memory_space<vmem>>, vector<16xi32>,
          %sub3A_100 = vector.broadcast %mul3A_32 : i32 to vector<16xi32>
          %sub3A_101 = arith.subi %get3A_99, %sub3A_100 : vector<16xi32>
          %gather3A = tpu.vector_load_idx %arg11[%sub3A_101] : memref<12288xf32, #tpu.memory_space<vmem>>[vector<16xi32>], vector<16xf32>,
          %mul3A_102 = arith.mulf %gather3A, %get3A_1 : vector<16xf32>
          %swap3A = arith.index_cast %add3A_97 : i32 to index
          %swap3A_103 = tpu.vector_load %arg14[%swap3A] {strides = array<i32>} : memref<8192xf32, #tpu.memory_space<vmem>>, vector<16xf32>,
          tpu.vector_store %arg14[%swap3A], %mul3A_102 {strides = array<i32>} : memref<8192xf32, #tpu.memory_space<vmem>>, vector<16xf32>,
          %gather3A_104 = tpu.vector_load_idx %arg12[%sub3A_101] : memref<12288xi32, #tpu.memory_space<vmem>>[vector<16xi32>], vector<16xi32>,
          %swap3A_105 = arith.index_cast %add3A_97 : i32 to index
          %swap3A_106 = tpu.vector_load %arg15[%swap3A_105] {strides = array<i32>} : memref<8192xi32, #tpu.memory_space<vmem>>, vector<16xi32>,
          tpu.vector_store %arg15[%swap3A_105], %gather3A_104 {strides = array<i32>} : memref<8192xi32, #tpu.memory_space<vmem>>, vector<16xi32>,
          %gather3A_107 = tpu.vector_load_idx %arg13[%sub3A_101] : memref<12288xi32, #tpu.memory_space<vmem>>[vector<16xi32>], vector<16xi32>,
          %swap3A_108 = arith.index_cast %add3A_97 : i32 to index
          %swap3A_109 = tpu.vector_load %arg16[%swap3A_108] {strides = array<i32>} : memref<8192xi32, #tpu.memory_space<vmem>>, vector<16xi32>,
          tpu.vector_store %arg16[%swap3A_108], %gather3A_107 {strides = array<i32>} : memref<8192xi32, #tpu.memory_space<vmem>>, vector<16xi32>,
          %add3A_110 = arith.constant 16 : i32
          %add3A_111 = arith.addi %mul3A_95, %add3A_110 : i32
          %get3A_112 = arith.index_cast %add3A_111 : i32 to index
          %get3A_113 = tpu.vector_load %arg10[%get3A_112] {strides = array<i32>} : memref<8192xi32, #tpu.memory_space<vmem>>, vector<16xi32>,
          %sub3A_114 = vector.broadcast %mul3A_32 : i32 to vector<16xi32>
          %sub3A_115 = arith.subi %get3A_113, %sub3A_114 : vector<16xi32>
          %gather3A_116 = tpu.vector_load_idx %arg11[%sub3A_115] : memref<12288xf32, #tpu.memory_space<vmem>>[vector<16xi32>], vector<16xf32>,
          %mul3A_117 = arith.mulf %gather3A_116, %get3A_1 : vector<16xf32>
          %swap3A_118 = arith.index_cast %add3A_111 : i32 to index
          %swap3A_119 = tpu.vector_load %arg14[%swap3A_118] {strides = array<i32>} : memref<8192xf32, #tpu.memory_space<vmem>>, vector<16xf32>,
          tpu.vector_store %arg14[%swap3A_118], %mul3A_117 {strides = array<i32>} : memref<8192xf32, #tpu.memory_space<vmem>>, vector<16xf32>,
          %gather3A_120 = tpu.vector_load_idx %arg12[%sub3A_115] : memref<12288xi32, #tpu.memory_space<vmem>>[vector<16xi32>], vector<16xi32>,
          %swap3A_121 = arith.index_cast %add3A_111 : i32 to index
          %swap3A_122 = tpu.vector_load %arg15[%swap3A_121] {strides = array<i32>} : memref<8192xi32, #tpu.memory_space<vmem>>, vector<16xi32>,
          tpu.vector_store %arg15[%swap3A_121], %gather3A_120 {strides = array<i32>} : memref<8192xi32, #tpu.memory_space<vmem>>, vector<16xi32>,
          %gather3A_123 = tpu.vector_load_idx %arg13[%sub3A_115] : memref<12288xi32, #tpu.memory_space<vmem>>[vector<16xi32>], vector<16xi32>,
          %swap3A_124 = arith.index_cast %add3A_111 : i32 to index
          %swap3A_125 = tpu.vector_load %arg16[%swap3A_124] {strides = array<i32>} : memref<8192xi32, #tpu.memory_space<vmem>>, vector<16xi32>,
          tpu.vector_store %arg16[%swap3A_124], %gather3A_123 {strides = array<i32>} : memref<8192xi32, #tpu.memory_space<vmem>>, vector<16xi32>,
          %add3A_126 = arith.constant 32 : i32
          %add3A_127 = arith.addi %mul3A_95, %add3A_126 : i32
          %get3A_128 = arith.index_cast %add3A_127 : i32 to index
          %get3A_129 = tpu.vector_load %arg10[%get3A_128] {strides = array<i32>} : memref<8192xi32, #tpu.memory_space<vmem>>, vector<16xi32>,
          %sub3A_130 = vector.broadcast %mul3A_32 : i32 to vector<16xi32>
          %sub3A_131 = arith.subi %get3A_129, %sub3A_130 : vector<16xi32>
          %gather3A_132 = tpu.vector_load_idx %arg11[%sub3A_131] : memref<12288xf32, #tpu.memory_space<vmem>>[vector<16xi32>], vector<16xf32>,
          %mul3A_133 = arith.mulf %gather3A_132, %get3A_1 : vector<16xf32>
          %swap3A_134 = arith.index_cast %add3A_127 : i32 to index
          %swap3A_135 = tpu.vector_load %arg14[%swap3A_134] {strides = array<i32>} : memref<8192xf32, #tpu.memory_space<vmem>>, vector<16xf32>,
          tpu.vector_store %arg14[%swap3A_134], %mul3A_133 {strides = array<i32>} : memref<8192xf32, #tpu.memory_space<vmem>>, vector<16xf32>,
          %gather3A_136 = tpu.vector_load_idx %arg12[%sub3A_131] : memref<12288xi32, #tpu.memory_space<vmem>>[vector<16xi32>], vector<16xi32>,
          %swap3A_137 = arith.index_cast %add3A_127 : i32 to index
          %swap3A_138 = tpu.vector_load %arg15[%swap3A_137] {strides = array<i32>} : memref<8192xi32, #tpu.memory_space<vmem>>, vector<16xi32>,
          tpu.vector_store %arg15[%swap3A_137], %gather3A_136 {strides = array<i32>} : memref<8192xi32, #tpu.memory_space<vmem>>, vector<16xi32>,
          %gather3A_139 = tpu.vector_load_idx %arg13[%sub3A_131] : memref<12288xi32, #tpu.memory_space<vmem>>[vector<16xi32>], vector<16xi32>,
          %swap3A_140 = arith.index_cast %add3A_127 : i32 to index
          %swap3A_141 = tpu.vector_load %arg16[%swap3A_140] {strides = array<i32>} : memref<8192xi32, #tpu.memory_space<vmem>>, vector<16xi32>,
          tpu.vector_store %arg16[%swap3A_140], %gather3A_139 {strides = array<i32>} : memref<8192xi32, #tpu.memory_space<vmem>>, vector<16xi32>,
          %add3A_142 = arith.constant 48 : i32
          %add3A_143 = arith.addi %mul3A_95, %add3A_142 : i32
          %get3A_144 = arith.index_cast %add3A_143 : i32 to index
          %get3A_145 = tpu.vector_load %arg10[%get3A_144] {strides = array<i32>} : memref<8192xi32, #tpu.memory_space<vmem>>, vector<16xi32>,
          %sub3A_146 = vector.broadcast %mul3A_32 : i32 to vector<16xi32>
          %sub3A_147 = arith.subi %get3A_145, %sub3A_146 : vector<16xi32>
          %gather3A_148 = tpu.vector_load_idx %arg11[%sub3A_147] : memref<12288xf32, #tpu.memory_space<vmem>>[vector<16xi32>], vector<16xf32>,
          %mul3A_149 = arith.mulf %gather3A_148, %get3A_1 : vector<16xf32>
          %swap3A_150 = arith.index_cast %add3A_143 : i32 to index
          %swap3A_151 = tpu.vector_load %arg14[%swap3A_150] {strides = array<i32>} : memref<8192xf32, #tpu.memory_space<vmem>>, vector<16xf32>,
          tpu.vector_store %arg14[%swap3A_150], %mul3A_149 {strides = array<i32>} : memref<8192xf32, #tpu.memory_space<vmem>>, vector<16xf32>,
          %gather3A_152 = tpu.vector_load_idx %arg12[%sub3A_147] : memref<12288xi32, #tpu.memory_space<vmem>>[vector<16xi32>], vector<16xi32>,
          %swap3A_153 = arith.index_cast %add3A_143 : i32 to index
          %swap3A_154 = tpu.vector_load %arg15[%swap3A_153] {strides = array<i32>} : memref<8192xi32, #tpu.memory_space<vmem>>, vector<16xi32>,
          tpu.vector_store %arg15[%swap3A_153], %gather3A_152 {strides = array<i32>} : memref<8192xi32, #tpu.memory_space<vmem>>, vector<16xi32>,
          %gather3A_155 = tpu.vector_load_idx %arg13[%sub3A_147] : memref<12288xi32, #tpu.memory_space<vmem>>[vector<16xi32>], vector<16xi32>,
          %swap3A_156 = arith.index_cast %add3A_143 : i32 to index
          %swap3A_157 = tpu.vector_load %arg16[%swap3A_156] {strides = array<i32>} : memref<8192xi32, #tpu.memory_space<vmem>>, vector<16xi32>,
          tpu.vector_store %arg16[%swap3A_156], %gather3A_155 {strides = array<i32>} : memref<8192xi32, #tpu.memory_space<vmem>>, vector<16xi32>,
          %add3A_158 = arith.constant 64 : i32
          %add3A_159 = arith.addi %mul3A_95, %add3A_158 : i32
          %get3A_160 = arith.index_cast %add3A_159 : i32 to index
          %get3A_161 = tpu.vector_load %arg10[%get3A_160] {strides = array<i32>} : memref<8192xi32, #tpu.memory_space<vmem>>, vector<16xi32>,
          %sub3A_162 = vector.broadcast %mul3A_32 : i32 to vector<16xi32>
          %sub3A_163 = arith.subi %get3A_161, %sub3A_162 : vector<16xi32>
          %gather3A_164 = tpu.vector_load_idx %arg11[%sub3A_163] : memref<12288xf32, #tpu.memory_space<vmem>>[vector<16xi32>], vector<16xf32>,
          %mul3A_165 = arith.mulf %gather3A_164, %get3A_1 : vector<16xf32>
          %swap3A_166 = arith.index_cast %add3A_159 : i32 to index
          %swap3A_167 = tpu.vector_load %arg14[%swap3A_166] {strides = array<i32>} : memref<8192xf32, #tpu.memory_space<vmem>>, vector<16xf32>,
          tpu.vector_store %arg14[%swap3A_166], %mul3A_165 {strides = array<i32>} : memref<8192xf32, #tpu.memory_space<vmem>>, vector<16xf32>,
          %gather3A_168 = tpu.vector_load_idx %arg12[%sub3A_163] : memref<12288xi32, #tpu.memory_space<vmem>>[vector<16xi32>], vector<16xi32>,
          %swap3A_169 = arith.index_cast %add3A_159 : i32 to index
          %swap3A_170 = tpu.vector_load %arg15[%swap3A_169] {strides = array<i32>} : memref<8192xi32, #tpu.memory_space<vmem>>, vector<16xi32>,
          tpu.vector_store %arg15[%swap3A_169], %gather3A_168 {strides = array<i32>} : memref<8192xi32, #tpu.memory_space<vmem>>, vector<16xi32>,
          %gather3A_171 = tpu.vector_load_idx %arg13[%sub3A_163] : memref<12288xi32, #tpu.memory_space<vmem>>[vector<16xi32>], vector<16xi32>,
          %swap3A_172 = arith.index_cast %add3A_159 : i32 to index
          %swap3A_173 = tpu.vector_load %arg16[%swap3A_172] {strides = array<i32>} : memref<8192xi32, #tpu.memory_space<vmem>>, vector<16xi32>,
          tpu.vector_store %arg16[%swap3A_172], %gather3A_171 {strides = array<i32>} : memref<8192xi32, #tpu.memory_space<vmem>>, vector<16xi32>,
          %add3A_174 = arith.constant 80 : i32
          %add3A_175 = arith.addi %mul3A_95, %add3A_174 : i32
          %get3A_176 = arith.index_cast %add3A_175 : i32 to index
          %get3A_177 = tpu.vector_load %arg10[%get3A_176] {strides = array<i32>} : memref<8192xi32, #tpu.memory_space<vmem>>, vector<16xi32>,
          %sub3A_178 = vector.broadcast %mul3A_32 : i32 to vector<16xi32>
          %sub3A_179 = arith.subi %get3A_177, %sub3A_178 : vector<16xi32>
          %gather3A_180 = tpu.vector_load_idx %arg11[%sub3A_179] : memref<12288xf32, #tpu.memory_space<vmem>>[vector<16xi32>], vector<16xf32>,
          %mul3A_181 = arith.mulf %gather3A_180, %get3A_1 : vector<16xf32>
          %swap3A_182 = arith.index_cast %add3A_175 : i32 to index
          %swap3A_183 = tpu.vector_load %arg14[%swap3A_182] {strides = array<i32>} : memref<8192xf32, #tpu.memory_space<vmem>>, vector<16xf32>,
          tpu.vector_store %arg14[%swap3A_182], %mul3A_181 {strides = array<i32>} : memref<8192xf32, #tpu.memory_space<vmem>>, vector<16xf32>,
          %gather3A_184 = tpu.vector_load_idx %arg12[%sub3A_179] : memref<12288xi32, #tpu.memory_space<vmem>>[vector<16xi32>], vector<16xi32>,
          %swap3A_185 = arith.index_cast %add3A_175 : i32 to index
          %swap3A_186 = tpu.vector_load %arg15[%swap3A_185] {strides = array<i32>} : memref<8192xi32, #tpu.memory_space<vmem>>, vector<16xi32>,
          tpu.vector_store %arg15[%swap3A_185], %gather3A_184 {strides = array<i32>} : memref<8192xi32, #tpu.memory_space<vmem>>, vector<16xi32>,
          %gather3A_187 = tpu.vector_load_idx %arg13[%sub3A_179] : memref<12288xi32, #tpu.memory_space<vmem>>[vector<16xi32>], vector<16xi32>,
          %swap3A_188 = arith.index_cast %add3A_175 : i32 to index
          %swap3A_189 = tpu.vector_load %arg16[%swap3A_188] {strides = array<i32>} : memref<8192xi32, #tpu.memory_space<vmem>>, vector<16xi32>,
          tpu.vector_store %arg16[%swap3A_188], %gather3A_187 {strides = array<i32>} : memref<8192xi32, #tpu.memory_space<vmem>>, vector<16xi32>,
          %add3A_190 = arith.constant 96 : i32
          %add3A_191 = arith.addi %mul3A_95, %add3A_190 : i32
          %get3A_192 = arith.index_cast %add3A_191 : i32 to index
          %get3A_193 = tpu.vector_load %arg10[%get3A_192] {strides = array<i32>} : memref<8192xi32, #tpu.memory_space<vmem>>, vector<16xi32>,
          %sub3A_194 = vector.broadcast %mul3A_32 : i32 to vector<16xi32>
          %sub3A_195 = arith.subi %get3A_193, %sub3A_194 : vector<16xi32>
          %gather3A_196 = tpu.vector_load_idx %arg11[%sub3A_195] : memref<12288xf32, #tpu.memory_space<vmem>>[vector<16xi32>], vector<16xf32>,
          %mul3A_197 = arith.mulf %gather3A_196, %get3A_1 : vector<16xf32>
          %swap3A_198 = arith.index_cast %add3A_191 : i32 to index
          %swap3A_199 = tpu.vector_load %arg14[%swap3A_198] {strides = array<i32>} : memref<8192xf32, #tpu.memory_space<vmem>>, vector<16xf32>,
          tpu.vector_store %arg14[%swap3A_198], %mul3A_197 {strides = array<i32>} : memref<8192xf32, #tpu.memory_space<vmem>>, vector<16xf32>,
          %gather3A_200 = tpu.vector_load_idx %arg12[%sub3A_195] : memref<12288xi32, #tpu.memory_space<vmem>>[vector<16xi32>], vector<16xi32>,
          %swap3A_201 = arith.index_cast %add3A_191 : i32 to index
          %swap3A_202 = tpu.vector_load %arg15[%swap3A_201] {strides = array<i32>} : memref<8192xi32, #tpu.memory_space<vmem>>, vector<16xi32>,
          tpu.vector_store %arg15[%swap3A_201], %gather3A_200 {strides = array<i32>} : memref<8192xi32, #tpu.memory_space<vmem>>, vector<16xi32>,
          %gather3A_203 = tpu.vector_load_idx %arg13[%sub3A_195] : memref<12288xi32, #tpu.memory_space<vmem>>[vector<16xi32>], vector<16xi32>,
          %swap3A_204 = arith.index_cast %add3A_191 : i32 to index
          %swap3A_205 = tpu.vector_load %arg16[%swap3A_204] {strides = array<i32>} : memref<8192xi32, #tpu.memory_space<vmem>>, vector<16xi32>,
          tpu.vector_store %arg16[%swap3A_204], %gather3A_203 {strides = array<i32>} : memref<8192xi32, #tpu.memory_space<vmem>>, vector<16xi32>,
          %add3A_206 = arith.constant 112 : i32
          %add3A_207 = arith.addi %mul3A_95, %add3A_206 : i32
          %get3A_208 = arith.index_cast %add3A_207 : i32 to index
          %get3A_209 = tpu.vector_load %arg10[%get3A_208] {strides = array<i32>} : memref<8192xi32, #tpu.memory_space<vmem>>, vector<16xi32>,
          %sub3A_210 = vector.broadcast %mul3A_32 : i32 to vector<16xi32>
          %sub3A_211 = arith.subi %get3A_209, %sub3A_210 : vector<16xi32>
          %gather3A_212 = tpu.vector_load_idx %arg11[%sub3A_211] : memref<12288xf32, #tpu.memory_space<vmem>>[vector<16xi32>], vector<16xf32>,
          %mul3A_213 = arith.mulf %gather3A_212, %get3A_1 : vector<16xf32>
          %swap3A_214 = arith.index_cast %add3A_207 : i32 to index
          %swap3A_215 = tpu.vector_load %arg14[%swap3A_214] {strides = array<i32>} : memref<8192xf32, #tpu.memory_space<vmem>>, vector<16xf32>,
          tpu.vector_store %arg14[%swap3A_214], %mul3A_213 {strides = array<i32>} : memref<8192xf32, #tpu.memory_space<vmem>>, vector<16xf32>,
          %gather3A_216 = tpu.vector_load_idx %arg12[%sub3A_211] : memref<12288xi32, #tpu.memory_space<vmem>>[vector<16xi32>], vector<16xi32>,
          %swap3A_217 = arith.index_cast %add3A_207 : i32 to index
          %swap3A_218 = tpu.vector_load %arg15[%swap3A_217] {strides = array<i32>} : memref<8192xi32, #tpu.memory_space<vmem>>, vector<16xi32>,
          tpu.vector_store %arg15[%swap3A_217], %gather3A_216 {strides = array<i32>} : memref<8192xi32, #tpu.memory_space<vmem>>, vector<16xi32>,
          %gather3A_219 = tpu.vector_load_idx %arg13[%sub3A_211] : memref<12288xi32, #tpu.memory_space<vmem>>[vector<16xi32>], vector<16xi32>,
          %swap3A_220 = arith.index_cast %add3A_207 : i32 to index
          %swap3A_221 = tpu.vector_load %arg16[%swap3A_220] {strides = array<i32>} : memref<8192xi32, #tpu.memory_space<vmem>>, vector<16xi32>,
          tpu.vector_store %arg16[%swap3A_220], %gather3A_219 {strides = array<i32>} : memref<8192xi32, #tpu.memory_space<vmem>>, vector<16xi32>,
        }
        %scan3A_92 = arith.constant 64 : i32
      } else {
      }
      %not3A = arith.constant true
      %not3A_38 = arith.xori %lt3A_34, %not3A : i1
      %convert_element_type3A_39 = arith.extui %not3A_38 : i1 to i32
      %cond3A_40 = arith.constant 0 : i32
      %cond3A_41 = arith.cmpi ne, %convert_element_type3A_39, %cond3A_40 : i32
      scf.if %cond3A_41 {
        %dma_start3A_76 = arith.constant 0 : i32
        %dma_start3A_77 = tpu.memref_slice %arg14[%dma_start3A_76] : memref<8192xf32, #tpu.memory_space<vmem>> -> memref<8192xf32, #tpu.memory_space<vmem>>
        %dma_start3A_78 = arith.constant 0 : i32
        %dma_start3A_79 = tpu.memref_slice %arg10[%dma_start3A_78] : memref<8192xi32, #tpu.memory_space<vmem>> -> memref<8192xi32, #tpu.memory_space<vmem>>
        %dma_start3A_80 = arith.constant 0 : i32
        %dma_start3A_81 = tpu.memref_slice %arg2[%dma_start3A_80] : memref<6400000xf32, #tpu.memory_space<hbm>> -> memref<6400000xf32, #tpu.memory_space<hbm>>
        tpu.enqueue_indirect_dma source(%dma_start3A_81 : memref<6400000xf32, #tpu.memory_space<hbm>>) target(%dma_start3A_77 : memref<8192xf32, #tpu.memory_space<vmem>>) offsets(%dma_start3A_79 : memref<8192xi32, #tpu.memory_space<vmem>>) semaphore(%arg18 : memref<!tpu.dma_semaphore, #tpu.memory_space<semaphore_mem>>)
        %dma_start3A_82 = arith.constant 0 : i32
        %dma_start3A_83 = tpu.memref_slice %arg15[%dma_start3A_82] : memref<8192xi32, #tpu.memory_space<vmem>> -> memref<8192xi32, #tpu.memory_space<vmem>>
        %dma_start3A_84 = arith.constant 0 : i32
        %dma_start3A_85 = tpu.memref_slice %arg10[%dma_start3A_84] : memref<8192xi32, #tpu.memory_space<vmem>> -> memref<8192xi32, #tpu.memory_space<vmem>>
        %dma_start3A_86 = arith.constant 0 : i32
        %dma_start3A_87 = tpu.memref_slice %arg3[%dma_start3A_86] : memref<6400000xi32, #tpu.memory_space<hbm>> -> memref<6400000xi32, #tpu.memory_space<hbm>>
        tpu.enqueue_indirect_dma source(%dma_start3A_87 : memref<6400000xi32, #tpu.memory_space<hbm>>) target(%dma_start3A_83 : memref<8192xi32, #tpu.memory_space<vmem>>) offsets(%dma_start3A_85 : memref<8192xi32, #tpu.memory_space<vmem>>) semaphore(%arg18 : memref<!tpu.dma_semaphore, #tpu.memory_space<semaphore_mem>>)
        %dma_start3A_88 = arith.constant 0 : i32
        %dma_start3A_89 = tpu.memref_slice %arg16[%dma_start3A_88] : memref<8192xi32, #tpu.memory_space<vmem>> -> memref<8192xi32, #tpu.memory_space<vmem>>
        %dma_start3A_90 = arith.constant 0 : i32
        %dma_start3A_91 = tpu.memref_slice %arg10[%dma_start3A_90] : memref<8192xi32, #tpu.memory_space<vmem>> -> memref<8192xi32, #tpu.memory_space<vmem>>
        %dma_start3A_92 = arith.constant 0 : i32
        %dma_start3A_93 = tpu.memref_slice %arg4[%dma_start3A_92] : memref<6400000xi32, #tpu.memory_space<hbm>> -> memref<6400000xi32, #tpu.memory_space<hbm>>
        tpu.enqueue_indirect_dma source(%dma_start3A_93 : memref<6400000xi32, #tpu.memory_space<hbm>>) target(%dma_start3A_89 : memref<8192xi32, #tpu.memory_space<vmem>>) offsets(%dma_start3A_91 : memref<8192xi32, #tpu.memory_space<vmem>>) semaphore(%arg18 : memref<!tpu.dma_semaphore, #tpu.memory_space<semaphore_mem>>)
        %dma_wait3A_94 = arith.constant 0 : i32
        %dma_wait3A_95 = tpu.memref_slice %arg14[%dma_wait3A_94] : memref<8192xf32, #tpu.memory_space<vmem>> -> memref<8192xf32, #tpu.memory_space<vmem>>
        %dma_wait3A_96 = arith.constant 0 : i32
        %dma_wait3A_97 = tpu.memref_slice %arg10[%dma_wait3A_96] : memref<8192xi32, #tpu.memory_space<vmem>> -> memref<8192xi32, #tpu.memory_space<vmem>>
        %dma_wait3A_98 = arith.constant 0 : i32
        %dma_wait3A_99 = tpu.memref_slice %arg2[%dma_wait3A_98] : memref<6400000xf32, #tpu.memory_space<hbm>> -> memref<6400000xf32, #tpu.memory_space<hbm>>
        tpu.wait_indirect_dma semaphore(%arg18 : memref<!tpu.dma_semaphore, #tpu.memory_space<semaphore_mem>>) src(%dma_wait3A_99 : memref<6400000xf32, #tpu.memory_space<hbm>>) dst(%dma_wait3A_95 : memref<8192xf32, #tpu.memory_space<vmem>>)
        %dma_wait3A_100 = arith.constant 0 : i32
        %dma_wait3A_101 = tpu.memref_slice %arg15[%dma_wait3A_100] : memref<8192xi32, #tpu.memory_space<vmem>> -> memref<8192xi32, #tpu.memory_space<vmem>>
        %dma_wait3A_102 = arith.constant 0 : i32
        %dma_wait3A_103 = tpu.memref_slice %arg10[%dma_wait3A_102] : memref<8192xi32, #tpu.memory_space<vmem>> -> memref<8192xi32, #tpu.memory_space<vmem>>
        %dma_wait3A_104 = arith.constant 0 : i32
        %dma_wait3A_105 = tpu.memref_slice %arg3[%dma_wait3A_104] : memref<6400000xi32, #tpu.memory_space<hbm>> -> memref<6400000xi32, #tpu.memory_space<hbm>>
        tpu.wait_indirect_dma semaphore(%arg18 : memref<!tpu.dma_semaphore, #tpu.memory_space<semaphore_mem>>) src(%dma_wait3A_105 : memref<6400000xi32, #tpu.memory_space<hbm>>) dst(%dma_wait3A_101 : memref<8192xi32, #tpu.memory_space<vmem>>)
        %dma_wait3A_106 = arith.constant 0 : i32
        %dma_wait3A_107 = tpu.memref_slice %arg16[%dma_wait3A_106] : memref<8192xi32, #tpu.memory_space<vmem>> -> memref<8192xi32, #tpu.memory_space<vmem>>
        %dma_wait3A_108 = arith.constant 0 : i32
        %dma_wait3A_109 = tpu.memref_slice %arg10[%dma_wait3A_108] : memref<8192xi32, #tpu.memory_space<vmem>> -> memref<8192xi32, #tpu.memory_space<vmem>>
        %dma_wait3A_110 = arith.constant 0 : i32
        %dma_wait3A_111 = tpu.memref_slice %arg4[%dma_wait3A_110] : memref<6400000xi32, #tpu.memory_space<hbm>> -> memref<6400000xi32, #tpu.memory_space<hbm>>
        tpu.wait_indirect_dma semaphore(%arg18 : memref<!tpu.dma_semaphore, #tpu.memory_space<semaphore_mem>>) src(%dma_wait3A_111 : memref<6400000xi32, #tpu.memory_space<hbm>>) dst(%dma_wait3A_107 : memref<8192xi32, #tpu.memory_space<vmem>>)
        %scan3A = arith.constant 0 : i32
        %scan3A_112 = arith.constant 0 : i32
        %scan3A_113 = arith.constant 64 : i32
        %scan3A_114 = arith.addi %scan3A_112, %scan3A_113 : i32
        %scan3A_115 = arith.constant 1 : i32
        scf.for %scan3A_117 = %scan3A_112 to %scan3A_114 step %scan3A_115  : i32 {
          %mul3A_118 = arith.constant 128 : i32
          %mul3A_119 = arith.muli %scan3A_117, %mul3A_118 : i32
          %add3A_120 = arith.constant 0 : i32
          %add3A_121 = arith.addi %mul3A_119, %add3A_120 : i32
          %get3A_122 = arith.index_cast %add3A_121 : i32 to index
          %get3A_123 = tpu.vector_load %arg14[%get3A_122] {strides = array<i32>} : memref<8192xf32, #tpu.memory_space<vmem>>, vector<16xf32>,
          %mul3A_124 = arith.mulf %get3A_123, %get3A_1 : vector<16xf32>
          %swap3A = arith.index_cast %add3A_121 : i32 to index
          %swap3A_125 = tpu.vector_load %arg14[%swap3A] {strides = array<i32>} : memref<8192xf32, #tpu.memory_space<vmem>>, vector<16xf32>,
          tpu.vector_store %arg14[%swap3A], %mul3A_124 {strides = array<i32>} : memref<8192xf32, #tpu.memory_space<vmem>>, vector<16xf32>,
          %add3A_126 = arith.constant 16 : i32
          %add3A_127 = arith.addi %mul3A_119, %add3A_126 : i32
          %get3A_128 = arith.index_cast %add3A_127 : i32 to index
          %get3A_129 = tpu.vector_load %arg14[%get3A_128] {strides = array<i32>} : memref<8192xf32, #tpu.memory_space<vmem>>, vector<16xf32>,
          %mul3A_130 = arith.mulf %get3A_129, %get3A_1 : vector<16xf32>
          %swap3A_131 = arith.index_cast %add3A_127 : i32 to index
          %swap3A_132 = tpu.vector_load %arg14[%swap3A_131] {strides = array<i32>} : memref<8192xf32, #tpu.memory_space<vmem>>, vector<16xf32>,
          tpu.vector_store %arg14[%swap3A_131], %mul3A_130 {strides = array<i32>} : memref<8192xf32, #tpu.memory_space<vmem>>, vector<16xf32>,
          %add3A_133 = arith.constant 32 : i32
          %add3A_134 = arith.addi %mul3A_119, %add3A_133 : i32
          %get3A_135 = arith.index_cast %add3A_134 : i32 to index
          %get3A_136 = tpu.vector_load %arg14[%get3A_135] {strides = array<i32>} : memref<8192xf32, #tpu.memory_space<vmem>>, vector<16xf32>,
          %mul3A_137 = arith.mulf %get3A_136, %get3A_1 : vector<16xf32>
          %swap3A_138 = arith.index_cast %add3A_134 : i32 to index
          %swap3A_139 = tpu.vector_load %arg14[%swap3A_138] {strides = array<i32>} : memref<8192xf32, #tpu.memory_space<vmem>>, vector<16xf32>,
          tpu.vector_store %arg14[%swap3A_138], %mul3A_137 {strides = array<i32>} : memref<8192xf32, #tpu.memory_space<vmem>>, vector<16xf32>,
          %add3A_140 = arith.constant 48 : i32
          %add3A_141 = arith.addi %mul3A_119, %add3A_140 : i32
          %get3A_142 = arith.index_cast %add3A_141 : i32 to index
          %get3A_143 = tpu.vector_load %arg14[%get3A_142] {strides = array<i32>} : memref<8192xf32, #tpu.memory_space<vmem>>, vector<16xf32>,
          %mul3A_144 = arith.mulf %get3A_143, %get3A_1 : vector<16xf32>
          %swap3A_145 = arith.index_cast %add3A_141 : i32 to index
          %swap3A_146 = tpu.vector_load %arg14[%swap3A_145] {strides = array<i32>} : memref<8192xf32, #tpu.memory_space<vmem>>, vector<16xf32>,
          tpu.vector_store %arg14[%swap3A_145], %mul3A_144 {strides = array<i32>} : memref<8192xf32, #tpu.memory_space<vmem>>, vector<16xf32>,
          %add3A_147 = arith.constant 64 : i32
          %add3A_148 = arith.addi %mul3A_119, %add3A_147 : i32
          %get3A_149 = arith.index_cast %add3A_148 : i32 to index
          %get3A_150 = tpu.vector_load %arg14[%get3A_149] {strides = array<i32>} : memref<8192xf32, #tpu.memory_space<vmem>>, vector<16xf32>,
          %mul3A_151 = arith.mulf %get3A_150, %get3A_1 : vector<16xf32>
          %swap3A_152 = arith.index_cast %add3A_148 : i32 to index
          %swap3A_153 = tpu.vector_load %arg14[%swap3A_152] {strides = array<i32>} : memref<8192xf32, #tpu.memory_space<vmem>>, vector<16xf32>,
          tpu.vector_store %arg14[%swap3A_152], %mul3A_151 {strides = array<i32>} : memref<8192xf32, #tpu.memory_space<vmem>>, vector<16xf32>,
          %add3A_154 = arith.constant 80 : i32
          %add3A_155 = arith.addi %mul3A_119, %add3A_154 : i32
          %get3A_156 = arith.index_cast %add3A_155 : i32 to index
          %get3A_157 = tpu.vector_load %arg14[%get3A_156] {strides = array<i32>} : memref<8192xf32, #tpu.memory_space<vmem>>, vector<16xf32>,
          %mul3A_158 = arith.mulf %get3A_157, %get3A_1 : vector<16xf32>
          %swap3A_159 = arith.index_cast %add3A_155 : i32 to index
          %swap3A_160 = tpu.vector_load %arg14[%swap3A_159] {strides = array<i32>} : memref<8192xf32, #tpu.memory_space<vmem>>, vector<16xf32>,
          tpu.vector_store %arg14[%swap3A_159], %mul3A_158 {strides = array<i32>} : memref<8192xf32, #tpu.memory_space<vmem>>, vector<16xf32>,
          %add3A_161 = arith.constant 96 : i32
          %add3A_162 = arith.addi %mul3A_119, %add3A_161 : i32
          %get3A_163 = arith.index_cast %add3A_162 : i32 to index
          %get3A_164 = tpu.vector_load %arg14[%get3A_163] {strides = array<i32>} : memref<8192xf32, #tpu.memory_space<vmem>>, vector<16xf32>,
          %mul3A_165 = arith.mulf %get3A_164, %get3A_1 : vector<16xf32>
          %swap3A_166 = arith.index_cast %add3A_162 : i32 to index
          %swap3A_167 = tpu.vector_load %arg14[%swap3A_166] {strides = array<i32>} : memref<8192xf32, #tpu.memory_space<vmem>>, vector<16xf32>,
          tpu.vector_store %arg14[%swap3A_166], %mul3A_165 {strides = array<i32>} : memref<8192xf32, #tpu.memory_space<vmem>>, vector<16xf32>,
          %add3A_168 = arith.constant 112 : i32
          %add3A_169 = arith.addi %mul3A_119, %add3A_168 : i32
          %get3A_170 = arith.index_cast %add3A_169 : i32 to index
          %get3A_171 = tpu.vector_load %arg14[%get3A_170] {strides = array<i32>} : memref<8192xf32, #tpu.memory_space<vmem>>, vector<16xf32>,
          %mul3A_172 = arith.mulf %get3A_171, %get3A_1 : vector<16xf32>
          %swap3A_173 = arith.index_cast %add3A_169 : i32 to index
          %swap3A_174 = tpu.vector_load %arg14[%swap3A_173] {strides = array<i32>} : memref<8192xf32, #tpu.memory_space<vmem>>, vector<16xf32>,
          tpu.vector_store %arg14[%swap3A_173], %mul3A_172 {strides = array<i32>} : memref<8192xf32, #tpu.memory_space<vmem>>, vector<16xf32>,
        }
        %scan3A_116 = arith.constant 64 : i32
      } else {
      }
      %dma_start3A = arith.constant 0 : i32
      %dma_start3A_42 = tpu.memref_slice %arg15[%dma_start3A] : memref<8192xi32, #tpu.memory_space<vmem>> -> memref<8192xi32, #tpu.memory_space<vmem>>
      %dma_start3A_43 = tpu.memref_slice %arg7[%mul3A_22] : memref<5119385xi32, #tpu.memory_space<hbm>> -> memref<8192xi32, #tpu.memory_space<hbm>>
      %dma_start3A_44 = tpu.memref_slice %arg7[%mul3A_22] : memref<5119385xi32, #tpu.memory_space<hbm>> -> memref<8192xi32, #tpu.memory_space<hbm>>
      %dma_start3A_45 = arith.constant 0 : i32
      %dma_start3A_46 = tpu.memref_slice %arg15[%dma_start3A_45] : memref<8192xi32, #tpu.memory_space<vmem>> -> memref<8192xi32, #tpu.memory_space<vmem>>
      tpu.enqueue_dma source(%dma_start3A_46 : memref<8192xi32, #tpu.memory_space<vmem>>) target(%dma_start3A_44 : memref<8192xi32, #tpu.memory_space<hbm>>) target_semaphore(%arg19 : memref<!tpu.dma_semaphore, #tpu.memory_space<semaphore_mem>>)
      %dma_start3A_47 = arith.constant 0 : i32
      %dma_start3A_48 = tpu.memref_slice %arg16[%dma_start3A_47] : memref<8192xi32, #tpu.memory_space<vmem>> -> memref<8192xi32, #tpu.memory_space<vmem>>
      %dma_start3A_49 = tpu.memref_slice %arg8[%mul3A_22] : memref<5119385xi32, #tpu.memory_space<hbm>> -> memref<8192xi32, #tpu.memory_space<hbm>>
      %dma_start3A_50 = tpu.memref_slice %arg8[%mul3A_22] : memref<5119385xi32, #tpu.memory_space<hbm>> -> memref<8192xi32, #tpu.memory_space<hbm>>
      %dma_start3A_51 = arith.constant 0 : i32
      %dma_start3A_52 = tpu.memref_slice %arg16[%dma_start3A_51] : memref<8192xi32, #tpu.memory_space<vmem>> -> memref<8192xi32, #tpu.memory_space<vmem>>
      tpu.enqueue_dma source(%dma_start3A_52 : memref<8192xi32, #tpu.memory_space<vmem>>) target(%dma_start3A_50 : memref<8192xi32, #tpu.memory_space<hbm>>) target_semaphore(%arg19 : memref<!tpu.dma_semaphore, #tpu.memory_space<semaphore_mem>>)
      %dma_start3A_53 = arith.constant 0 : i32
      %dma_start3A_54 = tpu.memref_slice %arg14[%dma_start3A_53] : memref<8192xf32, #tpu.memory_space<vmem>> -> memref<8192xf32, #tpu.memory_space<vmem>>
      %dma_start3A_55 = tpu.memref_slice %arg9[%mul3A_22] : memref<5119385xf32, #tpu.memory_space<hbm>> -> memref<8192xf32, #tpu.memory_space<hbm>>
      %dma_start3A_56 = tpu.memref_slice %arg9[%mul3A_22] : memref<5119385xf32, #tpu.memory_space<hbm>> -> memref<8192xf32, #tpu.memory_space<hbm>>
      %dma_start3A_57 = arith.constant 0 : i32
      %dma_start3A_58 = tpu.memref_slice %arg14[%dma_start3A_57] : memref<8192xf32, #tpu.memory_space<vmem>> -> memref<8192xf32, #tpu.memory_space<vmem>>
      tpu.enqueue_dma source(%dma_start3A_58 : memref<8192xf32, #tpu.memory_space<vmem>>) target(%dma_start3A_56 : memref<8192xf32, #tpu.memory_space<hbm>>) target_semaphore(%arg19 : memref<!tpu.dma_semaphore, #tpu.memory_space<semaphore_mem>>)
      %dma_wait3A = arith.constant 0 : i32
      %dma_wait3A_59 = tpu.memref_slice %arg15[%dma_wait3A] : memref<8192xi32, #tpu.memory_space<vmem>> -> memref<8192xi32, #tpu.memory_space<vmem>>
      %dma_wait3A_60 = tpu.memref_slice %arg7[%mul3A_22] : memref<5119385xi32, #tpu.memory_space<hbm>> -> memref<8192xi32, #tpu.memory_space<hbm>>
      %dma_wait3A_61 = tpu.memref_slice %arg7[%mul3A_22] : memref<5119385xi32, #tpu.memory_space<hbm>> -> memref<8192xi32, #tpu.memory_space<hbm>>
      %dma_wait3A_62 = arith.constant 0 : i32
      %dma_wait3A_63 = tpu.memref_slice %arg15[%dma_wait3A_62] : memref<8192xi32, #tpu.memory_space<vmem>> -> memref<8192xi32, #tpu.memory_space<vmem>>
      tpu.wait_dma2 semaphore(%arg19 : memref<!tpu.dma_semaphore, #tpu.memory_space<semaphore_mem>>) src(%dma_wait3A_63 : memref<8192xi32, #tpu.memory_space<vmem>>) dst(%dma_wait3A_61 : memref<8192xi32, #tpu.memory_space<hbm>>)
      %dma_wait3A_64 = arith.constant 0 : i32
      %dma_wait3A_65 = tpu.memref_slice %arg16[%dma_wait3A_64] : memref<8192xi32, #tpu.memory_space<vmem>> -> memref<8192xi32, #tpu.memory_space<vmem>>
      %dma_wait3A_66 = tpu.memref_slice %arg8[%mul3A_22] : memref<5119385xi32, #tpu.memory_space<hbm>> -> memref<8192xi32, #tpu.memory_space<hbm>>
      %dma_wait3A_67 = tpu.memref_slice %arg8[%mul3A_22] : memref<5119385xi32, #tpu.memory_space<hbm>> -> memref<8192xi32, #tpu.memory_space<hbm>>
      %dma_wait3A_68 = arith.constant 0 : i32
      %dma_wait3A_69 = tpu.memref_slice %arg16[%dma_wait3A_68] : memref<8192xi32, #tpu.memory_space<vmem>> -> memref<8192xi32, #tpu.memory_space<vmem>>
      tpu.wait_dma2 semaphore(%arg19 : memref<!tpu.dma_semaphore, #tpu.memory_space<semaphore_mem>>) src(%dma_wait3A_69 : memref<8192xi32, #tpu.memory_space<vmem>>) dst(%dma_wait3A_67 : memref<8192xi32, #tpu.memory_space<hbm>>)
      %dma_wait3A_70 = arith.constant 0 : i32
      %dma_wait3A_71 = tpu.memref_slice %arg14[%dma_wait3A_70] : memref<8192xf32, #tpu.memory_space<vmem>> -> memref<8192xf32, #tpu.memory_space<vmem>>
      %dma_wait3A_72 = tpu.memref_slice %arg9[%mul3A_22] : memref<5119385xf32, #tpu.memory_space<hbm>> -> memref<8192xf32, #tpu.memory_space<hbm>>
      %dma_wait3A_73 = tpu.memref_slice %arg9[%mul3A_22] : memref<5119385xf32, #tpu.memory_space<hbm>> -> memref<8192xf32, #tpu.memory_space<hbm>>
      %dma_wait3A_74 = arith.constant 0 : i32
      %dma_wait3A_75 = tpu.memref_slice %arg14[%dma_wait3A_74] : memref<8192xf32, #tpu.memory_space<vmem>> -> memref<8192xf32, #tpu.memory_space<vmem>>
      tpu.wait_dma2 semaphore(%arg19 : memref<!tpu.dma_semaphore, #tpu.memory_space<semaphore_mem>>) src(%dma_wait3A_75 : memref<8192xf32, #tpu.memory_space<vmem>>) dst(%dma_wait3A_73 : memref<8192xf32, #tpu.memory_space<hbm>>)
    }
    %while3A_14 = arith.constant 1 : i32
    scf.for %while3A_17 = %while3A_12 to %while3A_8 step %while3A_14  : i32 {
      %mul3A_18 = arith.constant 32 : i32
      %mul3A_19 = arith.muli %while3A_17, %mul3A_18 : i32
      %add3A_20 = arith.addi %add3A, %mul3A_19 : i32
      %mul3A_21 = arith.constant 8192 : i32
      %mul3A_22 = arith.muli %add3A_20, %mul3A_21 : i32
      "tpu.region"() ({
        %run_scoped3A = tpu.sem_alloc : memref<!tpu.dma_semaphore, #tpu.memory_space<semaphore_mem>>
        %dma_start3A_76 = arith.constant 0 : i32
        %dma_start3A_77 = tpu.memref_slice %arg10[%dma_start3A_76] : memref<8192xi32, #tpu.memory_space<vmem>> -> memref<8192xi32, #tpu.memory_space<vmem>>
        %dma_start3A_78 = tpu.memref_slice %arg5[%mul3A_22] : memref<5119385xi32, #tpu.memory_space<hbm>> -> memref<8192xi32, #tpu.memory_space<hbm>>
        %dma_start3A_79 = arith.constant 0 : i32
        %dma_start3A_80 = tpu.memref_slice %arg10[%dma_start3A_79] : memref<8192xi32, #tpu.memory_space<vmem>> -> memref<8192xi32, #tpu.memory_space<vmem>>
        %dma_start3A_81 = tpu.memref_slice %arg5[%mul3A_22] : memref<5119385xi32, #tpu.memory_space<hbm>> -> memref<8192xi32, #tpu.memory_space<hbm>>
        tpu.enqueue_dma source(%dma_start3A_81 : memref<8192xi32, #tpu.memory_space<hbm>>) target(%dma_start3A_80 : memref<8192xi32, #tpu.memory_space<vmem>>) target_semaphore(%run_scoped3A : memref<!tpu.dma_semaphore, #tpu.memory_space<semaphore_mem>>)
        %dma_wait3A_82 = arith.constant 0 : i32
        %dma_wait3A_83 = tpu.memref_slice %arg10[%dma_wait3A_82] : memref<8192xi32, #tpu.memory_space<vmem>> -> memref<8192xi32, #tpu.memory_space<vmem>>
        %dma_wait3A_84 = tpu.memref_slice %arg5[%mul3A_22] : memref<5119385xi32, #tpu.memory_space<hbm>> -> memref<8192xi32, #tpu.memory_space<hbm>>
        %dma_wait3A_85 = arith.constant 0 : i32
        %dma_wait3A_86 = tpu.memref_slice %arg10[%dma_wait3A_85] : memref<8192xi32, #tpu.memory_space<vmem>> -> memref<8192xi32, #tpu.memory_space<vmem>>
        %dma_wait3A_87 = tpu.memref_slice %arg5[%mul3A_22] : memref<5119385xi32, #tpu.memory_space<hbm>> -> memref<8192xi32, #tpu.memory_space<hbm>>
        tpu.wait_dma2 semaphore(%run_scoped3A : memref<!tpu.dma_semaphore, #tpu.memory_space<semaphore_mem>>) src(%dma_wait3A_87 : memref<8192xi32, #tpu.memory_space<hbm>>) dst(%dma_wait3A_86 : memref<8192xi32, #tpu.memory_space<vmem>>)
        tpu.yield
      }) : () -> ()
      %get3A_23 = arith.constant 0 : index
      %get3A_24 = tpu.vector_load %arg10[%get3A_23] {strides = array<i32>} : memref<8192xi32, #tpu.memory_space<vmem>>, vector<16xi32>,
      %slice3A = vector.extract_strided_slice %get3A_24 {offsets = [0], sizes = [1], strides = [1]} : vector<16xi32> to vector<1xi32>
      %squeeze3A = vector.extract %slice3A[0] : i32 from vector<1xi32>
      %get3A_25 = arith.constant 8176 : index
      %get3A_26 = tpu.vector_load %arg10[%get3A_25] {strides = array<i32>} : memref<8192xi32, #tpu.memory_space<vmem>>, vector<16xi32>,
      %slice3A_27 = vector.extract_strided_slice %get3A_26 {offsets = [15], sizes = [1], strides = [1]} : vector<16xi32> to vector<1xi32>
      %squeeze3A_28 = vector.extract %slice3A_27[0] : i32 from vector<1xi32>
      %shift_right_arithmetic3A = arith.constant 3 : i32
      %shift_right_arithmetic3A_29 = arith.shrsi %squeeze3A, %shift_right_arithmetic3A : i32
      %min3A = arith.constant 798464 : i32
      %min3A_30 = arith.minsi %shift_right_arithmetic3A_29, %min3A : i32
      %mul3A_31 = arith.constant 8 : i32
      %mul3A_32 = arith.muli %min3A_30, %mul3A_31 : i32
      %sub3A = arith.subi %squeeze3A_28, %mul3A_32 : i32
      %lt3A_33 = arith.constant 12288 : i32
      %lt3A_34 = arith.cmpi slt, %sub3A, %lt3A_33 : i32
      %convert_element_type3A_35 = arith.extui %lt3A_34 : i1 to i32
      %cond3A_36 = arith.constant 0 : i32
      %cond3A_37 = arith.cmpi ne, %convert_element_type3A_35, %cond3A_36 : i32
      scf.if %cond3A_37 {
        %dma_start3A_76 = tpu.memref_slice %arg2[%mul3A_32] : memref<6400000xf32, #tpu.memory_space<hbm>> -> memref<12288xf32, #tpu.memory_space<hbm>>
        %dma_start3A_77 = tpu.memref_slice %arg2[%mul3A_32] : memref<6400000xf32, #tpu.memory_space<hbm>> -> memref<12288xf32, #tpu.memory_space<hbm>>
        tpu.enqueue_dma source(%dma_start3A_77 : memref<12288xf32, #tpu.memory_space<hbm>>) target(%arg11 : memref<12288xf32, #tpu.memory_space<vmem>>) target_semaphore(%arg18 : memref<!tpu.dma_semaphore, #tpu.memory_space<semaphore_mem>>)
        %dma_start3A_78 = tpu.memref_slice %arg3[%mul3A_32] : memref<6400000xi32, #tpu.memory_space<hbm>> -> memref<12288xi32, #tpu.memory_space<hbm>>
        %dma_start3A_79 = tpu.memref_slice %arg3[%mul3A_32] : memref<6400000xi32, #tpu.memory_space<hbm>> -> memref<12288xi32, #tpu.memory_space<hbm>>
        tpu.enqueue_dma source(%dma_start3A_79 : memref<12288xi32, #tpu.memory_space<hbm>>) target(%arg12 : memref<12288xi32, #tpu.memory_space<vmem>>) target_semaphore(%arg18 : memref<!tpu.dma_semaphore, #tpu.memory_space<semaphore_mem>>)
        %dma_start3A_80 = tpu.memref_slice %arg4[%mul3A_32] : memref<6400000xi32, #tpu.memory_space<hbm>> -> memref<12288xi32, #tpu.memory_space<hbm>>
        %dma_start3A_81 = tpu.memref_slice %arg4[%mul3A_32] : memref<6400000xi32, #tpu.memory_space<hbm>> -> memref<12288xi32, #tpu.memory_space<hbm>>
        tpu.enqueue_dma source(%dma_start3A_81 : memref<12288xi32, #tpu.memory_space<hbm>>) target(%arg13 : memref<12288xi32, #tpu.memory_space<vmem>>) target_semaphore(%arg18 : memref<!tpu.dma_semaphore, #tpu.memory_space<semaphore_mem>>)
        %dma_wait3A_82 = tpu.memref_slice %arg2[%mul3A_32] : memref<6400000xf32, #tpu.memory_space<hbm>> -> memref<12288xf32, #tpu.memory_space<hbm>>
        %dma_wait3A_83 = tpu.memref_slice %arg2[%mul3A_32] : memref<6400000xf32, #tpu.memory_space<hbm>> -> memref<12288xf32, #tpu.memory_space<hbm>>
        tpu.wait_dma2 semaphore(%arg18 : memref<!tpu.dma_semaphore, #tpu.memory_space<semaphore_mem>>) src(%dma_wait3A_83 : memref<12288xf32, #tpu.memory_space<hbm>>) dst(%arg11 : memref<12288xf32, #tpu.memory_space<vmem>>)
        %dma_wait3A_84 = tpu.memref_slice %arg3[%mul3A_32] : memref<6400000xi32, #tpu.memory_space<hbm>> -> memref<12288xi32, #tpu.memory_space<hbm>>
        %dma_wait3A_85 = tpu.memref_slice %arg3[%mul3A_32] : memref<6400000xi32, #tpu.memory_space<hbm>> -> memref<12288xi32, #tpu.memory_space<hbm>>
        tpu.wait_dma2 semaphore(%arg18 : memref<!tpu.dma_semaphore, #tpu.memory_space<semaphore_mem>>) src(%dma_wait3A_85 : memref<12288xi32, #tpu.memory_space<hbm>>) dst(%arg12 : memref<12288xi32, #tpu.memory_space<vmem>>)
        %dma_wait3A_86 = tpu.memref_slice %arg4[%mul3A_32] : memref<6400000xi32, #tpu.memory_space<hbm>> -> memref<12288xi32, #tpu.memory_space<hbm>>
        %dma_wait3A_87 = tpu.memref_slice %arg4[%mul3A_32] : memref<6400000xi32, #tpu.memory_space<hbm>> -> memref<12288xi32, #tpu.memory_space<hbm>>
        tpu.wait_dma2 semaphore(%arg18 : memref<!tpu.dma_semaphore, #tpu.memory_space<semaphore_mem>>) src(%dma_wait3A_87 : memref<12288xi32, #tpu.memory_space<hbm>>) dst(%arg13 : memref<12288xi32, #tpu.memory_space<vmem>>)
        %scan3A = arith.constant 0 : i32
        %scan3A_88 = arith.constant 0 : i32
        %scan3A_89 = arith.constant 64 : i32
        %scan3A_90 = arith.addi %scan3A_88, %scan3A_89 : i32
        %scan3A_91 = arith.constant 1 : i32
        scf.for %scan3A_93 = %scan3A_88 to %scan3A_90 step %scan3A_91  : i32 {
          %mul3A_94 = arith.constant 128 : i32
          %mul3A_95 = arith.muli %scan3A_93, %mul3A_94 : i32
          %add3A_96 = arith.constant 0 : i32
          %add3A_97 = arith.addi %mul3A_95, %add3A_96 : i32
          %get3A_98 = arith.index_cast %add3A_97 : i32 to index
          %get3A_99 = tpu.vector_load %arg10[%get3A_98] {strides = array<i32>} : memref<8192xi32, #tpu.memory_space<vmem>>, vector<16xi32>,
          %sub3A_100 = vector.broadcast %mul3A_32 : i32 to vector<16xi32>
          %sub3A_101 = arith.subi %get3A_99, %sub3A_100 : vector<16xi32>
          %gather3A = tpu.vector_load_idx %arg11[%sub3A_101] : memref<12288xf32, #tpu.memory_space<vmem>>[vector<16xi32>], vector<16xf32>,
          %mul3A_102 = arith.mulf %gather3A, %get3A_1 : vector<16xf32>
          %swap3A = arith.index_cast %add3A_97 : i32 to index
          %swap3A_103 = tpu.vector_load %arg14[%swap3A] {strides = array<i32>} : memref<8192xf32, #tpu.memory_space<vmem>>, vector<16xf32>,
          tpu.vector_store %arg14[%swap3A], %mul3A_102 {strides = array<i32>} : memref<8192xf32, #tpu.memory_space<vmem>>, vector<16xf32>,
          %gather3A_104 = tpu.vector_load_idx %arg12[%sub3A_101] : memref<12288xi32, #tpu.memory_space<vmem>>[vector<16xi32>], vector<16xi32>,
          %swap3A_105 = arith.index_cast %add3A_97 : i32 to index
          %swap3A_106 = tpu.vector_load %arg15[%swap3A_105] {strides = array<i32>} : memref<8192xi32, #tpu.memory_space<vmem>>, vector<16xi32>,
          tpu.vector_store %arg15[%swap3A_105], %gather3A_104 {strides = array<i32>} : memref<8192xi32, #tpu.memory_space<vmem>>, vector<16xi32>,
          %gather3A_107 = tpu.vector_load_idx %arg13[%sub3A_101] : memref<12288xi32, #tpu.memory_space<vmem>>[vector<16xi32>], vector<16xi32>,
          %swap3A_108 = arith.index_cast %add3A_97 : i32 to index
          %swap3A_109 = tpu.vector_load %arg16[%swap3A_108] {strides = array<i32>} : memref<8192xi32, #tpu.memory_space<vmem>>, vector<16xi32>,
          tpu.vector_store %arg16[%swap3A_108], %gather3A_107 {strides = array<i32>} : memref<8192xi32, #tpu.memory_space<vmem>>, vector<16xi32>,
          %add3A_110 = arith.constant 16 : i32
          %add3A_111 = arith.addi %mul3A_95, %add3A_110 : i32
          %get3A_112 = arith.index_cast %add3A_111 : i32 to index
          %get3A_113 = tpu.vector_load %arg10[%get3A_112] {strides = array<i32>} : memref<8192xi32, #tpu.memory_space<vmem>>, vector<16xi32>,
          %sub3A_114 = vector.broadcast %mul3A_32 : i32 to vector<16xi32>
          %sub3A_115 = arith.subi %get3A_113, %sub3A_114 : vector<16xi32>
          %gather3A_116 = tpu.vector_load_idx %arg11[%sub3A_115] : memref<12288xf32, #tpu.memory_space<vmem>>[vector<16xi32>], vector<16xf32>,
          %mul3A_117 = arith.mulf %gather3A_116, %get3A_1 : vector<16xf32>
          %swap3A_118 = arith.index_cast %add3A_111 : i32 to index
          %swap3A_119 = tpu.vector_load %arg14[%swap3A_118] {strides = array<i32>} : memref<8192xf32, #tpu.memory_space<vmem>>, vector<16xf32>,
          tpu.vector_store %arg14[%swap3A_118], %mul3A_117 {strides = array<i32>} : memref<8192xf32, #tpu.memory_space<vmem>>, vector<16xf32>,
          %gather3A_120 = tpu.vector_load_idx %arg12[%sub3A_115] : memref<12288xi32, #tpu.memory_space<vmem>>[vector<16xi32>], vector<16xi32>,
          %swap3A_121 = arith.index_cast %add3A_111 : i32 to index
          %swap3A_122 = tpu.vector_load %arg15[%swap3A_121] {strides = array<i32>} : memref<8192xi32, #tpu.memory_space<vmem>>, vector<16xi32>,
          tpu.vector_store %arg15[%swap3A_121], %gather3A_120 {strides = array<i32>} : memref<8192xi32, #tpu.memory_space<vmem>>, vector<16xi32>,
          %gather3A_123 = tpu.vector_load_idx %arg13[%sub3A_115] : memref<12288xi32, #tpu.memory_space<vmem>>[vector<16xi32>], vector<16xi32>,
          %swap3A_124 = arith.index_cast %add3A_111 : i32 to index
          %swap3A_125 = tpu.vector_load %arg16[%swap3A_124] {strides = array<i32>} : memref<8192xi32, #tpu.memory_space<vmem>>, vector<16xi32>,
          tpu.vector_store %arg16[%swap3A_124], %gather3A_123 {strides = array<i32>} : memref<8192xi32, #tpu.memory_space<vmem>>, vector<16xi32>,
          %add3A_126 = arith.constant 32 : i32
          %add3A_127 = arith.addi %mul3A_95, %add3A_126 : i32
          %get3A_128 = arith.index_cast %add3A_127 : i32 to index
          %get3A_129 = tpu.vector_load %arg10[%get3A_128] {strides = array<i32>} : memref<8192xi32, #tpu.memory_space<vmem>>, vector<16xi32>,
          %sub3A_130 = vector.broadcast %mul3A_32 : i32 to vector<16xi32>
          %sub3A_131 = arith.subi %get3A_129, %sub3A_130 : vector<16xi32>
          %gather3A_132 = tpu.vector_load_idx %arg11[%sub3A_131] : memref<12288xf32, #tpu.memory_space<vmem>>[vector<16xi32>], vector<16xf32>,
          %mul3A_133 = arith.mulf %gather3A_132, %get3A_1 : vector<16xf32>
          %swap3A_134 = arith.index_cast %add3A_127 : i32 to index
          %swap3A_135 = tpu.vector_load %arg14[%swap3A_134] {strides = array<i32>} : memref<8192xf32, #tpu.memory_space<vmem>>, vector<16xf32>,
          tpu.vector_store %arg14[%swap3A_134], %mul3A_133 {strides = array<i32>} : memref<8192xf32, #tpu.memory_space<vmem>>, vector<16xf32>,
          %gather3A_136 = tpu.vector_load_idx %arg12[%sub3A_131] : memref<12288xi32, #tpu.memory_space<vmem>>[vector<16xi32>], vector<16xi32>,
          %swap3A_137 = arith.index_cast %add3A_127 : i32 to index
          %swap3A_138 = tpu.vector_load %arg15[%swap3A_137] {strides = array<i32>} : memref<8192xi32, #tpu.memory_space<vmem>>, vector<16xi32>,
          tpu.vector_store %arg15[%swap3A_137], %gather3A_136 {strides = array<i32>} : memref<8192xi32, #tpu.memory_space<vmem>>, vector<16xi32>,
          %gather3A_139 = tpu.vector_load_idx %arg13[%sub3A_131] : memref<12288xi32, #tpu.memory_space<vmem>>[vector<16xi32>], vector<16xi32>,
          %swap3A_140 = arith.index_cast %add3A_127 : i32 to index
          %swap3A_141 = tpu.vector_load %arg16[%swap3A_140] {strides = array<i32>} : memref<8192xi32, #tpu.memory_space<vmem>>, vector<16xi32>,
          tpu.vector_store %arg16[%swap3A_140], %gather3A_139 {strides = array<i32>} : memref<8192xi32, #tpu.memory_space<vmem>>, vector<16xi32>,
          %add3A_142 = arith.constant 48 : i32
          %add3A_143 = arith.addi %mul3A_95, %add3A_142 : i32
          %get3A_144 = arith.index_cast %add3A_143 : i32 to index
          %get3A_145 = tpu.vector_load %arg10[%get3A_144] {strides = array<i32>} : memref<8192xi32, #tpu.memory_space<vmem>>, vector<16xi32>,
          %sub3A_146 = vector.broadcast %mul3A_32 : i32 to vector<16xi32>
          %sub3A_147 = arith.subi %get3A_145, %sub3A_146 : vector<16xi32>
          %gather3A_148 = tpu.vector_load_idx %arg11[%sub3A_147] : memref<12288xf32, #tpu.memory_space<vmem>>[vector<16xi32>], vector<16xf32>,
          %mul3A_149 = arith.mulf %gather3A_148, %get3A_1 : vector<16xf32>
          %swap3A_150 = arith.index_cast %add3A_143 : i32 to index
          %swap3A_151 = tpu.vector_load %arg14[%swap3A_150] {strides = array<i32>} : memref<8192xf32, #tpu.memory_space<vmem>>, vector<16xf32>,
          tpu.vector_store %arg14[%swap3A_150], %mul3A_149 {strides = array<i32>} : memref<8192xf32, #tpu.memory_space<vmem>>, vector<16xf32>,
          %gather3A_152 = tpu.vector_load_idx %arg12[%sub3A_147] : memref<12288xi32, #tpu.memory_space<vmem>>[vector<16xi32>], vector<16xi32>,
          %swap3A_153 = arith.index_cast %add3A_143 : i32 to index
          %swap3A_154 = tpu.vector_load %arg15[%swap3A_153] {strides = array<i32>} : memref<8192xi32, #tpu.memory_space<vmem>>, vector<16xi32>,
          tpu.vector_store %arg15[%swap3A_153], %gather3A_152 {strides = array<i32>} : memref<8192xi32, #tpu.memory_space<vmem>>, vector<16xi32>,
          %gather3A_155 = tpu.vector_load_idx %arg13[%sub3A_147] : memref<12288xi32, #tpu.memory_space<vmem>>[vector<16xi32>], vector<16xi32>,
          %swap3A_156 = arith.index_cast %add3A_143 : i32 to index
          %swap3A_157 = tpu.vector_load %arg16[%swap3A_156] {strides = array<i32>} : memref<8192xi32, #tpu.memory_space<vmem>>, vector<16xi32>,
          tpu.vector_store %arg16[%swap3A_156], %gather3A_155 {strides = array<i32>} : memref<8192xi32, #tpu.memory_space<vmem>>, vector<16xi32>,
          %add3A_158 = arith.constant 64 : i32
          %add3A_159 = arith.addi %mul3A_95, %add3A_158 : i32
          %get3A_160 = arith.index_cast %add3A_159 : i32 to index
          %get3A_161 = tpu.vector_load %arg10[%get3A_160] {strides = array<i32>} : memref<8192xi32, #tpu.memory_space<vmem>>, vector<16xi32>,
          %sub3A_162 = vector.broadcast %mul3A_32 : i32 to vector<16xi32>
          %sub3A_163 = arith.subi %get3A_161, %sub3A_162 : vector<16xi32>
          %gather3A_164 = tpu.vector_load_idx %arg11[%sub3A_163] : memref<12288xf32, #tpu.memory_space<vmem>>[vector<16xi32>], vector<16xf32>,
          %mul3A_165 = arith.mulf %gather3A_164, %get3A_1 : vector<16xf32>
          %swap3A_166 = arith.index_cast %add3A_159 : i32 to index
          %swap3A_167 = tpu.vector_load %arg14[%swap3A_166] {strides = array<i32>} : memref<8192xf32, #tpu.memory_space<vmem>>, vector<16xf32>,
          tpu.vector_store %arg14[%swap3A_166], %mul3A_165 {strides = array<i32>} : memref<8192xf32, #tpu.memory_space<vmem>>, vector<16xf32>,
          %gather3A_168 = tpu.vector_load_idx %arg12[%sub3A_163] : memref<12288xi32, #tpu.memory_space<vmem>>[vector<16xi32>], vector<16xi32>,
          %swap3A_169 = arith.index_cast %add3A_159 : i32 to index
          %swap3A_170 = tpu.vector_load %arg15[%swap3A_169] {strides = array<i32>} : memref<8192xi32, #tpu.memory_space<vmem>>, vector<16xi32>,
          tpu.vector_store %arg15[%swap3A_169], %gather3A_168 {strides = array<i32>} : memref<8192xi32, #tpu.memory_space<vmem>>, vector<16xi32>,
          %gather3A_171 = tpu.vector_load_idx %arg13[%sub3A_163] : memref<12288xi32, #tpu.memory_space<vmem>>[vector<16xi32>], vector<16xi32>,
          %swap3A_172 = arith.index_cast %add3A_159 : i32 to index
          %swap3A_173 = tpu.vector_load %arg16[%swap3A_172] {strides = array<i32>} : memref<8192xi32, #tpu.memory_space<vmem>>, vector<16xi32>,
          tpu.vector_store %arg16[%swap3A_172], %gather3A_171 {strides = array<i32>} : memref<8192xi32, #tpu.memory_space<vmem>>, vector<16xi32>,
          %add3A_174 = arith.constant 80 : i32
          %add3A_175 = arith.addi %mul3A_95, %add3A_174 : i32
          %get3A_176 = arith.index_cast %add3A_175 : i32 to index
          %get3A_177 = tpu.vector_load %arg10[%get3A_176] {strides = array<i32>} : memref<8192xi32, #tpu.memory_space<vmem>>, vector<16xi32>,
          %sub3A_178 = vector.broadcast %mul3A_32 : i32 to vector<16xi32>
          %sub3A_179 = arith.subi %get3A_177, %sub3A_178 : vector<16xi32>
          %gather3A_180 = tpu.vector_load_idx %arg11[%sub3A_179] : memref<12288xf32, #tpu.memory_space<vmem>>[vector<16xi32>], vector<16xf32>,
          %mul3A_181 = arith.mulf %gather3A_180, %get3A_1 : vector<16xf32>
          %swap3A_182 = arith.index_cast %add3A_175 : i32 to index
          %swap3A_183 = tpu.vector_load %arg14[%swap3A_182] {strides = array<i32>} : memref<8192xf32, #tpu.memory_space<vmem>>, vector<16xf32>,
          tpu.vector_store %arg14[%swap3A_182], %mul3A_181 {strides = array<i32>} : memref<8192xf32, #tpu.memory_space<vmem>>, vector<16xf32>,
          %gather3A_184 = tpu.vector_load_idx %arg12[%sub3A_179] : memref<12288xi32, #tpu.memory_space<vmem>>[vector<16xi32>], vector<16xi32>,
          %swap3A_185 = arith.index_cast %add3A_175 : i32 to index
          %swap3A_186 = tpu.vector_load %arg15[%swap3A_185] {strides = array<i32>} : memref<8192xi32, #tpu.memory_space<vmem>>, vector<16xi32>,
          tpu.vector_store %arg15[%swap3A_185], %gather3A_184 {strides = array<i32>} : memref<8192xi32, #tpu.memory_space<vmem>>, vector<16xi32>,
          %gather3A_187 = tpu.vector_load_idx %arg13[%sub3A_179] : memref<12288xi32, #tpu.memory_space<vmem>>[vector<16xi32>], vector<16xi32>,
          %swap3A_188 = arith.index_cast %add3A_175 : i32 to index
          %swap3A_189 = tpu.vector_load %arg16[%swap3A_188] {strides = array<i32>} : memref<8192xi32, #tpu.memory_space<vmem>>, vector<16xi32>,
          tpu.vector_store %arg16[%swap3A_188], %gather3A_187 {strides = array<i32>} : memref<8192xi32, #tpu.memory_space<vmem>>, vector<16xi32>,
          %add3A_190 = arith.constant 96 : i32
          %add3A_191 = arith.addi %mul3A_95, %add3A_190 : i32
          %get3A_192 = arith.index_cast %add3A_191 : i32 to index
          %get3A_193 = tpu.vector_load %arg10[%get3A_192] {strides = array<i32>} : memref<8192xi32, #tpu.memory_space<vmem>>, vector<16xi32>,
          %sub3A_194 = vector.broadcast %mul3A_32 : i32 to vector<16xi32>
          %sub3A_195 = arith.subi %get3A_193, %sub3A_194 : vector<16xi32>
          %gather3A_196 = tpu.vector_load_idx %arg11[%sub3A_195] : memref<12288xf32, #tpu.memory_space<vmem>>[vector<16xi32>], vector<16xf32>,
          %mul3A_197 = arith.mulf %gather3A_196, %get3A_1 : vector<16xf32>
          %swap3A_198 = arith.index_cast %add3A_191 : i32 to index
          %swap3A_199 = tpu.vector_load %arg14[%swap3A_198] {strides = array<i32>} : memref<8192xf32, #tpu.memory_space<vmem>>, vector<16xf32>,
          tpu.vector_store %arg14[%swap3A_198], %mul3A_197 {strides = array<i32>} : memref<8192xf32, #tpu.memory_space<vmem>>, vector<16xf32>,
          %gather3A_200 = tpu.vector_load_idx %arg12[%sub3A_195] : memref<12288xi32, #tpu.memory_space<vmem>>[vector<16xi32>], vector<16xi32>,
          %swap3A_201 = arith.index_cast %add3A_191 : i32 to index
          %swap3A_202 = tpu.vector_load %arg15[%swap3A_201] {strides = array<i32>} : memref<8192xi32, #tpu.memory_space<vmem>>, vector<16xi32>,
          tpu.vector_store %arg15[%swap3A_201], %gather3A_200 {strides = array<i32>} : memref<8192xi32, #tpu.memory_space<vmem>>, vector<16xi32>,
          %gather3A_203 = tpu.vector_load_idx %arg13[%sub3A_195] : memref<12288xi32, #tpu.memory_space<vmem>>[vector<16xi32>], vector<16xi32>,
          %swap3A_204 = arith.index_cast %add3A_191 : i32 to index
          %swap3A_205 = tpu.vector_load %arg16[%swap3A_204] {strides = array<i32>} : memref<8192xi32, #tpu.memory_space<vmem>>, vector<16xi32>,
          tpu.vector_store %arg16[%swap3A_204], %gather3A_203 {strides = array<i32>} : memref<8192xi32, #tpu.memory_space<vmem>>, vector<16xi32>,
          %add3A_206 = arith.constant 112 : i32
          %add3A_207 = arith.addi %mul3A_95, %add3A_206 : i32
          %get3A_208 = arith.index_cast %add3A_207 : i32 to index
          %get3A_209 = tpu.vector_load %arg10[%get3A_208] {strides = array<i32>} : memref<8192xi32, #tpu.memory_space<vmem>>, vector<16xi32>,
          %sub3A_210 = vector.broadcast %mul3A_32 : i32 to vector<16xi32>
          %sub3A_211 = arith.subi %get3A_209, %sub3A_210 : vector<16xi32>
          %gather3A_212 = tpu.vector_load_idx %arg11[%sub3A_211] : memref<12288xf32, #tpu.memory_space<vmem>>[vector<16xi32>], vector<16xf32>,
          %mul3A_213 = arith.mulf %gather3A_212, %get3A_1 : vector<16xf32>
          %swap3A_214 = arith.index_cast %add3A_207 : i32 to index
          %swap3A_215 = tpu.vector_load %arg14[%swap3A_214] {strides = array<i32>} : memref<8192xf32, #tpu.memory_space<vmem>>, vector<16xf32>,
          tpu.vector_store %arg14[%swap3A_214], %mul3A_213 {strides = array<i32>} : memref<8192xf32, #tpu.memory_space<vmem>>, vector<16xf32>,
          %gather3A_216 = tpu.vector_load_idx %arg12[%sub3A_211] : memref<12288xi32, #tpu.memory_space<vmem>>[vector<16xi32>], vector<16xi32>,
          %swap3A_217 = arith.index_cast %add3A_207 : i32 to index
          %swap3A_218 = tpu.vector_load %arg15[%swap3A_217] {strides = array<i32>} : memref<8192xi32, #tpu.memory_space<vmem>>, vector<16xi32>,
          tpu.vector_store %arg15[%swap3A_217], %gather3A_216 {strides = array<i32>} : memref<8192xi32, #tpu.memory_space<vmem>>, vector<16xi32>,
          %gather3A_219 = tpu.vector_load_idx %arg13[%sub3A_211] : memref<12288xi32, #tpu.memory_space<vmem>>[vector<16xi32>], vector<16xi32>,
          %swap3A_220 = arith.index_cast %add3A_207 : i32 to index
          %swap3A_221 = tpu.vector_load %arg16[%swap3A_220] {strides = array<i32>} : memref<8192xi32, #tpu.memory_space<vmem>>, vector<16xi32>,
          tpu.vector_store %arg16[%swap3A_220], %gather3A_219 {strides = array<i32>} : memref<8192xi32, #tpu.memory_space<vmem>>, vector<16xi32>,
        }
        %scan3A_92 = arith.constant 64 : i32
      } else {
      }
      %not3A = arith.constant true
      %not3A_38 = arith.xori %lt3A_34, %not3A : i1
      %convert_element_type3A_39 = arith.extui %not3A_38 : i1 to i32
      %cond3A_40 = arith.constant 0 : i32
      %cond3A_41 = arith.cmpi ne, %convert_element_type3A_39, %cond3A_40 : i32
      scf.if %cond3A_41 {
        %dma_start3A_76 = arith.constant 0 : i32
        %dma_start3A_77 = tpu.memref_slice %arg14[%dma_start3A_76] : memref<8192xf32, #tpu.memory_space<vmem>> -> memref<8192xf32, #tpu.memory_space<vmem>>
        %dma_start3A_78 = arith.constant 0 : i32
        %dma_start3A_79 = tpu.memref_slice %arg10[%dma_start3A_78] : memref<8192xi32, #tpu.memory_space<vmem>> -> memref<8192xi32, #tpu.memory_space<vmem>>
        %dma_start3A_80 = arith.constant 0 : i32
        %dma_start3A_81 = tpu.memref_slice %arg2[%dma_start3A_80] : memref<6400000xf32, #tpu.memory_space<hbm>> -> memref<6400000xf32, #tpu.memory_space<hbm>>
        tpu.enqueue_indirect_dma source(%dma_start3A_81 : memref<6400000xf32, #tpu.memory_space<hbm>>) target(%dma_start3A_77 : memref<8192xf32, #tpu.memory_space<vmem>>) offsets(%dma_start3A_79 : memref<8192xi32, #tpu.memory_space<vmem>>) semaphore(%arg18 : memref<!tpu.dma_semaphore, #tpu.memory_space<semaphore_mem>>)
        %dma_start3A_82 = arith.constant 0 : i32
        %dma_start3A_83 = tpu.memref_slice %arg15[%dma_start3A_82] : memref<8192xi32, #tpu.memory_space<vmem>> -> memref<8192xi32, #tpu.memory_space<vmem>>
        %dma_start3A_84 = arith.constant 0 : i32
        %dma_start3A_85 = tpu.memref_slice %arg10[%dma_start3A_84] : memref<8192xi32, #tpu.memory_space<vmem>> -> memref<8192xi32, #tpu.memory_space<vmem>>
        %dma_start3A_86 = arith.constant 0 : i32
        %dma_start3A_87 = tpu.memref_slice %arg3[%dma_start3A_86] : memref<6400000xi32, #tpu.memory_space<hbm>> -> memref<6400000xi32, #tpu.memory_space<hbm>>
        tpu.enqueue_indirect_dma source(%dma_start3A_87 : memref<6400000xi32, #tpu.memory_space<hbm>>) target(%dma_start3A_83 : memref<8192xi32, #tpu.memory_space<vmem>>) offsets(%dma_start3A_85 : memref<8192xi32, #tpu.memory_space<vmem>>) semaphore(%arg18 : memref<!tpu.dma_semaphore, #tpu.memory_space<semaphore_mem>>)
        %dma_start3A_88 = arith.constant 0 : i32
        %dma_start3A_89 = tpu.memref_slice %arg16[%dma_start3A_88] : memref<8192xi32, #tpu.memory_space<vmem>> -> memref<8192xi32, #tpu.memory_space<vmem>>
        %dma_start3A_90 = arith.constant 0 : i32
        %dma_start3A_91 = tpu.memref_slice %arg10[%dma_start3A_90] : memref<8192xi32, #tpu.memory_space<vmem>> -> memref<8192xi32, #tpu.memory_space<vmem>>
        %dma_start3A_92 = arith.constant 0 : i32
        %dma_start3A_93 = tpu.memref_slice %arg4[%dma_start3A_92] : memref<6400000xi32, #tpu.memory_space<hbm>> -> memref<6400000xi32, #tpu.memory_space<hbm>>
        tpu.enqueue_indirect_dma source(%dma_start3A_93 : memref<6400000xi32, #tpu.memory_space<hbm>>) target(%dma_start3A_89 : memref<8192xi32, #tpu.memory_space<vmem>>) offsets(%dma_start3A_91 : memref<8192xi32, #tpu.memory_space<vmem>>) semaphore(%arg18 : memref<!tpu.dma_semaphore, #tpu.memory_space<semaphore_mem>>)
        %dma_wait3A_94 = arith.constant 0 : i32
        %dma_wait3A_95 = tpu.memref_slice %arg14[%dma_wait3A_94] : memref<8192xf32, #tpu.memory_space<vmem>> -> memref<8192xf32, #tpu.memory_space<vmem>>
        %dma_wait3A_96 = arith.constant 0 : i32
        %dma_wait3A_97 = tpu.memref_slice %arg10[%dma_wait3A_96] : memref<8192xi32, #tpu.memory_space<vmem>> -> memref<8192xi32, #tpu.memory_space<vmem>>
        %dma_wait3A_98 = arith.constant 0 : i32
        %dma_wait3A_99 = tpu.memref_slice %arg2[%dma_wait3A_98] : memref<6400000xf32, #tpu.memory_space<hbm>> -> memref<6400000xf32, #tpu.memory_space<hbm>>
        tpu.wait_indirect_dma semaphore(%arg18 : memref<!tpu.dma_semaphore, #tpu.memory_space<semaphore_mem>>) src(%dma_wait3A_99 : memref<6400000xf32, #tpu.memory_space<hbm>>) dst(%dma_wait3A_95 : memref<8192xf32, #tpu.memory_space<vmem>>)
        %dma_wait3A_100 = arith.constant 0 : i32
        %dma_wait3A_101 = tpu.memref_slice %arg15[%dma_wait3A_100] : memref<8192xi32, #tpu.memory_space<vmem>> -> memref<8192xi32, #tpu.memory_space<vmem>>
        %dma_wait3A_102 = arith.constant 0 : i32
        %dma_wait3A_103 = tpu.memref_slice %arg10[%dma_wait3A_102] : memref<8192xi32, #tpu.memory_space<vmem>> -> memref<8192xi32, #tpu.memory_space<vmem>>
        %dma_wait3A_104 = arith.constant 0 : i32
        %dma_wait3A_105 = tpu.memref_slice %arg3[%dma_wait3A_104] : memref<6400000xi32, #tpu.memory_space<hbm>> -> memref<6400000xi32, #tpu.memory_space<hbm>>
        tpu.wait_indirect_dma semaphore(%arg18 : memref<!tpu.dma_semaphore, #tpu.memory_space<semaphore_mem>>) src(%dma_wait3A_105 : memref<6400000xi32, #tpu.memory_space<hbm>>) dst(%dma_wait3A_101 : memref<8192xi32, #tpu.memory_space<vmem>>)
        %dma_wait3A_106 = arith.constant 0 : i32
        %dma_wait3A_107 = tpu.memref_slice %arg16[%dma_wait3A_106] : memref<8192xi32, #tpu.memory_space<vmem>> -> memref<8192xi32, #tpu.memory_space<vmem>>
        %dma_wait3A_108 = arith.constant 0 : i32
        %dma_wait3A_109 = tpu.memref_slice %arg10[%dma_wait3A_108] : memref<8192xi32, #tpu.memory_space<vmem>> -> memref<8192xi32, #tpu.memory_space<vmem>>
        %dma_wait3A_110 = arith.constant 0 : i32
        %dma_wait3A_111 = tpu.memref_slice %arg4[%dma_wait3A_110] : memref<6400000xi32, #tpu.memory_space<hbm>> -> memref<6400000xi32, #tpu.memory_space<hbm>>
        tpu.wait_indirect_dma semaphore(%arg18 : memref<!tpu.dma_semaphore, #tpu.memory_space<semaphore_mem>>) src(%dma_wait3A_111 : memref<6400000xi32, #tpu.memory_space<hbm>>) dst(%dma_wait3A_107 : memref<8192xi32, #tpu.memory_space<vmem>>)
        %scan3A = arith.constant 0 : i32
        %scan3A_112 = arith.constant 0 : i32
        %scan3A_113 = arith.constant 64 : i32
        %scan3A_114 = arith.addi %scan3A_112, %scan3A_113 : i32
        %scan3A_115 = arith.constant 1 : i32
        scf.for %scan3A_117 = %scan3A_112 to %scan3A_114 step %scan3A_115  : i32 {
          %mul3A_118 = arith.constant 128 : i32
          %mul3A_119 = arith.muli %scan3A_117, %mul3A_118 : i32
          %add3A_120 = arith.constant 0 : i32
          %add3A_121 = arith.addi %mul3A_119, %add3A_120 : i32
          %get3A_122 = arith.index_cast %add3A_121 : i32 to index
          %get3A_123 = tpu.vector_load %arg14[%get3A_122] {strides = array<i32>} : memref<8192xf32, #tpu.memory_space<vmem>>, vector<16xf32>,
          %mul3A_124 = arith.mulf %get3A_123, %get3A_1 : vector<16xf32>
          %swap3A = arith.index_cast %add3A_121 : i32 to index
          %swap3A_125 = tpu.vector_load %arg14[%swap3A] {strides = array<i32>} : memref<8192xf32, #tpu.memory_space<vmem>>, vector<16xf32>,
          tpu.vector_store %arg14[%swap3A], %mul3A_124 {strides = array<i32>} : memref<8192xf32, #tpu.memory_space<vmem>>, vector<16xf32>,
          %add3A_126 = arith.constant 16 : i32
          %add3A_127 = arith.addi %mul3A_119, %add3A_126 : i32
          %get3A_128 = arith.index_cast %add3A_127 : i32 to index
          %get3A_129 = tpu.vector_load %arg14[%get3A_128] {strides = array<i32>} : memref<8192xf32, #tpu.memory_space<vmem>>, vector<16xf32>,
          %mul3A_130 = arith.mulf %get3A_129, %get3A_1 : vector<16xf32>
          %swap3A_131 = arith.index_cast %add3A_127 : i32 to index
          %swap3A_132 = tpu.vector_load %arg14[%swap3A_131] {strides = array<i32>} : memref<8192xf32, #tpu.memory_space<vmem>>, vector<16xf32>,
          tpu.vector_store %arg14[%swap3A_131], %mul3A_130 {strides = array<i32>} : memref<8192xf32, #tpu.memory_space<vmem>>, vector<16xf32>,
          %add3A_133 = arith.constant 32 : i32
          %add3A_134 = arith.addi %mul3A_119, %add3A_133 : i32
          %get3A_135 = arith.index_cast %add3A_134 : i32 to index
          %get3A_136 = tpu.vector_load %arg14[%get3A_135] {strides = array<i32>} : memref<8192xf32, #tpu.memory_space<vmem>>, vector<16xf32>,
          %mul3A_137 = arith.mulf %get3A_136, %get3A_1 : vector<16xf32>
          %swap3A_138 = arith.index_cast %add3A_134 : i32 to index
          %swap3A_139 = tpu.vector_load %arg14[%swap3A_138] {strides = array<i32>} : memref<8192xf32, #tpu.memory_space<vmem>>, vector<16xf32>,
          tpu.vector_store %arg14[%swap3A_138], %mul3A_137 {strides = array<i32>} : memref<8192xf32, #tpu.memory_space<vmem>>, vector<16xf32>,
          %add3A_140 = arith.constant 48 : i32
          %add3A_141 = arith.addi %mul3A_119, %add3A_140 : i32
          %get3A_142 = arith.index_cast %add3A_141 : i32 to index
          %get3A_143 = tpu.vector_load %arg14[%get3A_142] {strides = array<i32>} : memref<8192xf32, #tpu.memory_space<vmem>>, vector<16xf32>,
          %mul3A_144 = arith.mulf %get3A_143, %get3A_1 : vector<16xf32>
          %swap3A_145 = arith.index_cast %add3A_141 : i32 to index
          %swap3A_146 = tpu.vector_load %arg14[%swap3A_145] {strides = array<i32>} : memref<8192xf32, #tpu.memory_space<vmem>>, vector<16xf32>,
          tpu.vector_store %arg14[%swap3A_145], %mul3A_144 {strides = array<i32>} : memref<8192xf32, #tpu.memory_space<vmem>>, vector<16xf32>,
          %add3A_147 = arith.constant 64 : i32
          %add3A_148 = arith.addi %mul3A_119, %add3A_147 : i32
          %get3A_149 = arith.index_cast %add3A_148 : i32 to index
          %get3A_150 = tpu.vector_load %arg14[%get3A_149] {strides = array<i32>} : memref<8192xf32, #tpu.memory_space<vmem>>, vector<16xf32>,
          %mul3A_151 = arith.mulf %get3A_150, %get3A_1 : vector<16xf32>
          %swap3A_152 = arith.index_cast %add3A_148 : i32 to index
          %swap3A_153 = tpu.vector_load %arg14[%swap3A_152] {strides = array<i32>} : memref<8192xf32, #tpu.memory_space<vmem>>, vector<16xf32>,
          tpu.vector_store %arg14[%swap3A_152], %mul3A_151 {strides = array<i32>} : memref<8192xf32, #tpu.memory_space<vmem>>, vector<16xf32>,
          %add3A_154 = arith.constant 80 : i32
          %add3A_155 = arith.addi %mul3A_119, %add3A_154 : i32
          %get3A_156 = arith.index_cast %add3A_155 : i32 to index
          %get3A_157 = tpu.vector_load %arg14[%get3A_156] {strides = array<i32>} : memref<8192xf32, #tpu.memory_space<vmem>>, vector<16xf32>,
          %mul3A_158 = arith.mulf %get3A_157, %get3A_1 : vector<16xf32>
          %swap3A_159 = arith.index_cast %add3A_155 : i32 to index
          %swap3A_160 = tpu.vector_load %arg14[%swap3A_159] {strides = array<i32>} : memref<8192xf32, #tpu.memory_space<vmem>>, vector<16xf32>,
          tpu.vector_store %arg14[%swap3A_159], %mul3A_158 {strides = array<i32>} : memref<8192xf32, #tpu.memory_space<vmem>>, vector<16xf32>,
          %add3A_161 = arith.constant 96 : i32
          %add3A_162 = arith.addi %mul3A_119, %add3A_161 : i32
          %get3A_163 = arith.index_cast %add3A_162 : i32 to index
          %get3A_164 = tpu.vector_load %arg14[%get3A_163] {strides = array<i32>} : memref<8192xf32, #tpu.memory_space<vmem>>, vector<16xf32>,
          %mul3A_165 = arith.mulf %get3A_164, %get3A_1 : vector<16xf32>
          %swap3A_166 = arith.index_cast %add3A_162 : i32 to index
          %swap3A_167 = tpu.vector_load %arg14[%swap3A_166] {strides = array<i32>} : memref<8192xf32, #tpu.memory_space<vmem>>, vector<16xf32>,
          tpu.vector_store %arg14[%swap3A_166], %mul3A_165 {strides = array<i32>} : memref<8192xf32, #tpu.memory_space<vmem>>, vector<16xf32>,
          %add3A_168 = arith.constant 112 : i32
          %add3A_169 = arith.addi %mul3A_119, %add3A_168 : i32
          %get3A_170 = arith.index_cast %add3A_169 : i32 to index
          %get3A_171 = tpu.vector_load %arg14[%get3A_170] {strides = array<i32>} : memref<8192xf32, #tpu.memory_space<vmem>>, vector<16xf32>,
          %mul3A_172 = arith.mulf %get3A_171, %get3A_1 : vector<16xf32>
          %swap3A_173 = arith.index_cast %add3A_169 : i32 to index
          %swap3A_174 = tpu.vector_load %arg14[%swap3A_173] {strides = array<i32>} : memref<8192xf32, #tpu.memory_space<vmem>>, vector<16xf32>,
          tpu.vector_store %arg14[%swap3A_173], %mul3A_172 {strides = array<i32>} : memref<8192xf32, #tpu.memory_space<vmem>>, vector<16xf32>,
        }
        %scan3A_116 = arith.constant 64 : i32
      } else {
      }
      %dma_start3A = arith.constant 0 : i32
      %dma_start3A_42 = tpu.memref_slice %arg15[%dma_start3A] : memref<8192xi32, #tpu.memory_space<vmem>> -> memref<8192xi32, #tpu.memory_space<vmem>>
      %dma_start3A_43 = tpu.memref_slice %arg7[%mul3A_22] : memref<5119385xi32, #tpu.memory_space<hbm>> -> memref<8192xi32, #tpu.memory_space<hbm>>
      %dma_start3A_44 = tpu.memref_slice %arg7[%mul3A_22] : memref<5119385xi32, #tpu.memory_space<hbm>> -> memref<8192xi32, #tpu.memory_space<hbm>>
      %dma_start3A_45 = arith.constant 0 : i32
      %dma_start3A_46 = tpu.memref_slice %arg15[%dma_start3A_45] : memref<8192xi32, #tpu.memory_space<vmem>> -> memref<8192xi32, #tpu.memory_space<vmem>>
      tpu.enqueue_dma source(%dma_start3A_46 : memref<8192xi32, #tpu.memory_space<vmem>>) target(%dma_start3A_44 : memref<8192xi32, #tpu.memory_space<hbm>>) target_semaphore(%arg19 : memref<!tpu.dma_semaphore, #tpu.memory_space<semaphore_mem>>)
      %dma_start3A_47 = arith.constant 0 : i32
      %dma_start3A_48 = tpu.memref_slice %arg16[%dma_start3A_47] : memref<8192xi32, #tpu.memory_space<vmem>> -> memref<8192xi32, #tpu.memory_space<vmem>>
      %dma_start3A_49 = tpu.memref_slice %arg8[%mul3A_22] : memref<5119385xi32, #tpu.memory_space<hbm>> -> memref<8192xi32, #tpu.memory_space<hbm>>
      %dma_start3A_50 = tpu.memref_slice %arg8[%mul3A_22] : memref<5119385xi32, #tpu.memory_space<hbm>> -> memref<8192xi32, #tpu.memory_space<hbm>>
      %dma_start3A_51 = arith.constant 0 : i32
      %dma_start3A_52 = tpu.memref_slice %arg16[%dma_start3A_51] : memref<8192xi32, #tpu.memory_space<vmem>> -> memref<8192xi32, #tpu.memory_space<vmem>>
      tpu.enqueue_dma source(%dma_start3A_52 : memref<8192xi32, #tpu.memory_space<vmem>>) target(%dma_start3A_50 : memref<8192xi32, #tpu.memory_space<hbm>>) target_semaphore(%arg19 : memref<!tpu.dma_semaphore, #tpu.memory_space<semaphore_mem>>)
      %dma_start3A_53 = arith.constant 0 : i32
      %dma_start3A_54 = tpu.memref_slice %arg14[%dma_start3A_53] : memref<8192xf32, #tpu.memory_space<vmem>> -> memref<8192xf32, #tpu.memory_space<vmem>>
      %dma_start3A_55 = tpu.memref_slice %arg9[%mul3A_22] : memref<5119385xf32, #tpu.memory_space<hbm>> -> memref<8192xf32, #tpu.memory_space<hbm>>
      %dma_start3A_56 = tpu.memref_slice %arg9[%mul3A_22] : memref<5119385xf32, #tpu.memory_space<hbm>> -> memref<8192xf32, #tpu.memory_space<hbm>>
      %dma_start3A_57 = arith.constant 0 : i32
      %dma_start3A_58 = tpu.memref_slice %arg14[%dma_start3A_57] : memref<8192xf32, #tpu.memory_space<vmem>> -> memref<8192xf32, #tpu.memory_space<vmem>>
      tpu.enqueue_dma source(%dma_start3A_58 : memref<8192xf32, #tpu.memory_space<vmem>>) target(%dma_start3A_56 : memref<8192xf32, #tpu.memory_space<hbm>>) target_semaphore(%arg19 : memref<!tpu.dma_semaphore, #tpu.memory_space<semaphore_mem>>)
      %dma_wait3A = arith.constant 0 : i32
      %dma_wait3A_59 = tpu.memref_slice %arg15[%dma_wait3A] : memref<8192xi32, #tpu.memory_space<vmem>> -> memref<8192xi32, #tpu.memory_space<vmem>>
      %dma_wait3A_60 = tpu.memref_slice %arg7[%mul3A_22] : memref<5119385xi32, #tpu.memory_space<hbm>> -> memref<8192xi32, #tpu.memory_space<hbm>>
      %dma_wait3A_61 = tpu.memref_slice %arg7[%mul3A_22] : memref<5119385xi32, #tpu.memory_space<hbm>> -> memref<8192xi32, #tpu.memory_space<hbm>>
      %dma_wait3A_62 = arith.constant 0 : i32
      %dma_wait3A_63 = tpu.memref_slice %arg15[%dma_wait3A_62] : memref<8192xi32, #tpu.memory_space<vmem>> -> memref<8192xi32, #tpu.memory_space<vmem>>
      tpu.wait_dma2 semaphore(%arg19 : memref<!tpu.dma_semaphore, #tpu.memory_space<semaphore_mem>>) src(%dma_wait3A_63 : memref<8192xi32, #tpu.memory_space<vmem>>) dst(%dma_wait3A_61 : memref<8192xi32, #tpu.memory_space<hbm>>)
      %dma_wait3A_64 = arith.constant 0 : i32
      %dma_wait3A_65 = tpu.memref_slice %arg16[%dma_wait3A_64] : memref<8192xi32, #tpu.memory_space<vmem>> -> memref<8192xi32, #tpu.memory_space<vmem>>
      %dma_wait3A_66 = tpu.memref_slice %arg8[%mul3A_22] : memref<5119385xi32, #tpu.memory_space<hbm>> -> memref<8192xi32, #tpu.memory_space<hbm>>
      %dma_wait3A_67 = tpu.memref_slice %arg8[%mul3A_22] : memref<5119385xi32, #tpu.memory_space<hbm>> -> memref<8192xi32, #tpu.memory_space<hbm>>
      %dma_wait3A_68 = arith.constant 0 : i32
      %dma_wait3A_69 = tpu.memref_slice %arg16[%dma_wait3A_68] : memref<8192xi32, #tpu.memory_space<vmem>> -> memref<8192xi32, #tpu.memory_space<vmem>>
      tpu.wait_dma2 semaphore(%arg19 : memref<!tpu.dma_semaphore, #tpu.memory_space<semaphore_mem>>) src(%dma_wait3A_69 : memref<8192xi32, #tpu.memory_space<vmem>>) dst(%dma_wait3A_67 : memref<8192xi32, #tpu.memory_space<hbm>>)
      %dma_wait3A_70 = arith.constant 0 : i32
      %dma_wait3A_71 = tpu.memref_slice %arg14[%dma_wait3A_70] : memref<8192xf32, #tpu.memory_space<vmem>> -> memref<8192xf32, #tpu.memory_space<vmem>>
      %dma_wait3A_72 = tpu.memref_slice %arg9[%mul3A_22] : memref<5119385xf32, #tpu.memory_space<hbm>> -> memref<8192xf32, #tpu.memory_space<hbm>>
      %dma_wait3A_73 = tpu.memref_slice %arg9[%mul3A_22] : memref<5119385xf32, #tpu.memory_space<hbm>> -> memref<8192xf32, #tpu.memory_space<hbm>>
      %dma_wait3A_74 = arith.constant 0 : i32
      %dma_wait3A_75 = tpu.memref_slice %arg14[%dma_wait3A_74] : memref<8192xf32, #tpu.memory_space<vmem>> -> memref<8192xf32, #tpu.memory_space<vmem>>
      tpu.wait_dma2 semaphore(%arg19 : memref<!tpu.dma_semaphore, #tpu.memory_space<semaphore_mem>>) src(%dma_wait3A_75 : memref<8192xf32, #tpu.memory_space<vmem>>) dst(%dma_wait3A_73 : memref<8192xf32, #tpu.memory_space<hbm>>)
    }
    %eq3A = arith.constant 31 : i32
    %eq3A_15 = arith.cmpi eq, %add3A, %eq3A : i32
    %convert_element_type3A = arith.extui %eq3A_15 : i1 to i32
    %cond3A = arith.constant 0 : i32
    %cond3A_16 = arith.cmpi ne, %convert_element_type3A, %cond3A : i32
    scf.if %cond3A_16 {
      "tpu.region"() ({
        %run_scoped3A = tpu.sem_alloc : memref<!tpu.dma_semaphore, #tpu.memory_space<semaphore_mem>>
        %dma_start3A_82 = arith.constant 0 : i32
        %dma_start3A_83 = tpu.memref_slice %arg10[%dma_start3A_82] : memref<8192xi32, #tpu.memory_space<vmem>> -> memref<7577xi32, #tpu.memory_space<vmem>>
        %dma_start3A_84 = arith.constant 5111808 : i32
        %dma_start3A_85 = tpu.memref_slice %arg5[%dma_start3A_84] : memref<5119385xi32, #tpu.memory_space<hbm>> -> memref<7577xi32, #tpu.memory_space<hbm>>
        %dma_start3A_86 = arith.constant 0 : i32
        %dma_start3A_87 = tpu.memref_slice %arg10[%dma_start3A_86] : memref<8192xi32, #tpu.memory_space<vmem>> -> memref<7577xi32, #tpu.memory_space<vmem>>
        %dma_start3A_88 = arith.constant 5111808 : i32
        %dma_start3A_89 = tpu.memref_slice %arg5[%dma_start3A_88] : memref<5119385xi32, #tpu.memory_space<hbm>> -> memref<7577xi32, #tpu.memory_space<hbm>>
        tpu.enqueue_dma source(%dma_start3A_89 : memref<7577xi32, #tpu.memory_space<hbm>>) target(%dma_start3A_87 : memref<7577xi32, #tpu.memory_space<vmem>>) target_semaphore(%run_scoped3A : memref<!tpu.dma_semaphore, #tpu.memory_space<semaphore_mem>>)
        %dma_wait3A_90 = arith.constant 0 : i32
        %dma_wait3A_91 = tpu.memref_slice %arg10[%dma_wait3A_90] : memref<8192xi32, #tpu.memory_space<vmem>> -> memref<7577xi32, #tpu.memory_space<vmem>>
        %dma_wait3A_92 = arith.constant 5111808 : i32
        %dma_wait3A_93 = tpu.memref_slice %arg5[%dma_wait3A_92] : memref<5119385xi32, #tpu.memory_space<hbm>> -> memref<7577xi32, #tpu.memory_space<hbm>>
        %dma_wait3A_94 = arith.constant 0 : i32
        %dma_wait3A_95 = tpu.memref_slice %arg10[%dma_wait3A_94] : memref<8192xi32, #tpu.memory_space<vmem>> -> memref<7577xi32, #tpu.memory_space<vmem>>
        %dma_wait3A_96 = arith.constant 5111808 : i32
        %dma_wait3A_97 = tpu.memref_slice %arg5[%dma_wait3A_96] : memref<5119385xi32, #tpu.memory_space<hbm>> -> memref<7577xi32, #tpu.memory_space<hbm>>
        tpu.wait_dma2 semaphore(%run_scoped3A : memref<!tpu.dma_semaphore, #tpu.memory_space<semaphore_mem>>) src(%dma_wait3A_97 : memref<7577xi32, #tpu.memory_space<hbm>>) dst(%dma_wait3A_95 : memref<7577xi32, #tpu.memory_space<vmem>>)
        tpu.yield
      }) : () -> ()
      %get3A_17 = arith.constant 0 : index
      %get3A_18 = tpu.vector_load %arg10[%get3A_17] {strides = array<i32>} : memref<8192xi32, #tpu.memory_space<vmem>>, vector<16xi32>,
      %slice3A = vector.extract_strided_slice %get3A_18 {offsets = [0], sizes = [1], strides = [1]} : vector<16xi32> to vector<1xi32>
      %squeeze3A = vector.extract %slice3A[0] : i32 from vector<1xi32>
      %get3A_19 = arith.constant 7561 : index
      %get3A_20 = tpu.vector_load %arg10[%get3A_19] {strides = array<i32>} : memref<8192xi32, #tpu.memory_space<vmem>>, vector<16xi32>,
      %slice3A_21 = vector.extract_strided_slice %get3A_20 {offsets = [15], sizes = [1], strides = [1]} : vector<16xi32> to vector<1xi32>
      %squeeze3A_22 = vector.extract %slice3A_21[0] : i32 from vector<1xi32>
      %shift_right_arithmetic3A = arith.constant 3 : i32
      %shift_right_arithmetic3A_23 = arith.shrsi %squeeze3A, %shift_right_arithmetic3A : i32
      %min3A = arith.constant 798464 : i32
      %min3A_24 = arith.minsi %shift_right_arithmetic3A_23, %min3A : i32
      %mul3A_25 = arith.constant 8 : i32
      %mul3A_26 = arith.muli %min3A_24, %mul3A_25 : i32
      %sub3A = arith.subi %squeeze3A_22, %mul3A_26 : i32
      %lt3A_27 = arith.constant 12288 : i32
      %lt3A_28 = arith.cmpi slt, %sub3A, %lt3A_27 : i32
      %convert_element_type3A_29 = arith.extui %lt3A_28 : i1 to i32
      %cond3A_30 = arith.constant 0 : i32
      %cond3A_31 = arith.cmpi ne, %convert_element_type3A_29, %cond3A_30 : i32
      scf.if %cond3A_31 {
        %dma_start3A_82 = tpu.memref_slice %arg2[%mul3A_26] : memref<6400000xf32, #tpu.memory_space<hbm>> -> memref<12288xf32, #tpu.memory_space<hbm>>
        %dma_start3A_83 = tpu.memref_slice %arg2[%mul3A_26] : memref<6400000xf32, #tpu.memory_space<hbm>> -> memref<12288xf32, #tpu.memory_space<hbm>>
        tpu.enqueue_dma source(%dma_start3A_83 : memref<12288xf32, #tpu.memory_space<hbm>>) target(%arg11 : memref<12288xf32, #tpu.memory_space<vmem>>) target_semaphore(%arg18 : memref<!tpu.dma_semaphore, #tpu.memory_space<semaphore_mem>>)
        %dma_start3A_84 = tpu.memref_slice %arg3[%mul3A_26] : memref<6400000xi32, #tpu.memory_space<hbm>> -> memref<12288xi32, #tpu.memory_space<hbm>>
        %dma_start3A_85 = tpu.memref_slice %arg3[%mul3A_26] : memref<6400000xi32, #tpu.memory_space<hbm>> -> memref<12288xi32, #tpu.memory_space<hbm>>
        tpu.enqueue_dma source(%dma_start3A_85 : memref<12288xi32, #tpu.memory_space<hbm>>) target(%arg12 : memref<12288xi32, #tpu.memory_space<vmem>>) target_semaphore(%arg18 : memref<!tpu.dma_semaphore, #tpu.memory_space<semaphore_mem>>)
        %dma_start3A_86 = tpu.memref_slice %arg4[%mul3A_26] : memref<6400000xi32, #tpu.memory_space<hbm>> -> memref<12288xi32, #tpu.memory_space<hbm>>
        %dma_start3A_87 = tpu.memref_slice %arg4[%mul3A_26] : memref<6400000xi32, #tpu.memory_space<hbm>> -> memref<12288xi32, #tpu.memory_space<hbm>>
        tpu.enqueue_dma source(%dma_start3A_87 : memref<12288xi32, #tpu.memory_space<hbm>>) target(%arg13 : memref<12288xi32, #tpu.memory_space<vmem>>) target_semaphore(%arg18 : memref<!tpu.dma_semaphore, #tpu.memory_space<semaphore_mem>>)
        %dma_wait3A_88 = tpu.memref_slice %arg2[%mul3A_26] : memref<6400000xf32, #tpu.memory_space<hbm>> -> memref<12288xf32, #tpu.memory_space<hbm>>
        %dma_wait3A_89 = tpu.memref_slice %arg2[%mul3A_26] : memref<6400000xf32, #tpu.memory_space<hbm>> -> memref<12288xf32, #tpu.memory_space<hbm>>
        tpu.wait_dma2 semaphore(%arg18 : memref<!tpu.dma_semaphore, #tpu.memory_space<semaphore_mem>>) src(%dma_wait3A_89 : memref<12288xf32, #tpu.memory_space<hbm>>) dst(%arg11 : memref<12288xf32, #tpu.memory_space<vmem>>)
        %dma_wait3A_90 = tpu.memref_slice %arg3[%mul3A_26] : memref<6400000xi32, #tpu.memory_space<hbm>> -> memref<12288xi32, #tpu.memory_space<hbm>>
        %dma_wait3A_91 = tpu.memref_slice %arg3[%mul3A_26] : memref<6400000xi32, #tpu.memory_space<hbm>> -> memref<12288xi32, #tpu.memory_space<hbm>>
        tpu.wait_dma2 semaphore(%arg18 : memref<!tpu.dma_semaphore, #tpu.memory_space<semaphore_mem>>) src(%dma_wait3A_91 : memref<12288xi32, #tpu.memory_space<hbm>>) dst(%arg12 : memref<12288xi32, #tpu.memory_space<vmem>>)
        %dma_wait3A_92 = tpu.memref_slice %arg4[%mul3A_26] : memref<6400000xi32, #tpu.memory_space<hbm>> -> memref<12288xi32, #tpu.memory_space<hbm>>
        %dma_wait3A_93 = tpu.memref_slice %arg4[%mul3A_26] : memref<6400000xi32, #tpu.memory_space<hbm>> -> memref<12288xi32, #tpu.memory_space<hbm>>
        tpu.wait_dma2 semaphore(%arg18 : memref<!tpu.dma_semaphore, #tpu.memory_space<semaphore_mem>>) src(%dma_wait3A_93 : memref<12288xi32, #tpu.memory_space<hbm>>) dst(%arg13 : memref<12288xi32, #tpu.memory_space<vmem>>)
        %scan3A = arith.constant 0 : i32
        %scan3A_94 = arith.constant 0 : i32
        %scan3A_95 = arith.constant 59 : i32
        %scan3A_96 = arith.addi %scan3A_94, %scan3A_95 : i32
        %scan3A_97 = arith.constant 1 : i32
        scf.for %scan3A_136 = %scan3A_94 to %scan3A_96 step %scan3A_97  : i32 {
          %mul3A_137 = arith.constant 128 : i32
          %mul3A_138 = arith.muli %scan3A_136, %mul3A_137 : i32
          %add3A_139 = arith.constant 0 : i32
          %add3A_140 = arith.addi %mul3A_138, %add3A_139 : i32
          %get3A_141 = arith.index_cast %add3A_140 : i32 to index
          %get3A_142 = tpu.vector_load %arg10[%get3A_141] {strides = array<i32>} : memref<8192xi32, #tpu.memory_space<vmem>>, vector<16xi32>,
          %sub3A_143 = vector.broadcast %mul3A_26 : i32 to vector<16xi32>
          %sub3A_144 = arith.subi %get3A_142, %sub3A_143 : vector<16xi32>
          %jit3A_145 = arith.constant 0 : i32
          %jit3A_146 = arith.constant 12287 : i32
          %max3A_147 = vector.broadcast %jit3A_145 : i32 to vector<16xi32>
          %max3A_148 = arith.maxsi %max3A_147, %sub3A_144 : vector<16xi32>
          %min3A_149 = vector.broadcast %jit3A_146 : i32 to vector<16xi32>
          %min3A_150 = arith.minsi %min3A_149, %max3A_148 : vector<16xi32>
          %gather3A_151 = tpu.vector_load_idx %arg11[%min3A_150] : memref<12288xf32, #tpu.memory_space<vmem>>[vector<16xi32>], vector<16xf32>,
          %mul3A_152 = arith.mulf %gather3A_151, %get3A_1 : vector<16xf32>
          %swap3A_153 = arith.index_cast %add3A_140 : i32 to index
          %swap3A_154 = tpu.vector_load %arg14[%swap3A_153] {strides = array<i32>} : memref<8192xf32, #tpu.memory_space<vmem>>, vector<16xf32>,
          tpu.vector_store %arg14[%swap3A_153], %mul3A_152 {strides = array<i32>} : memref<8192xf32, #tpu.memory_space<vmem>>, vector<16xf32>,
          %gather3A_155 = tpu.vector_load_idx %arg12[%min3A_150] : memref<12288xi32, #tpu.memory_space<vmem>>[vector<16xi32>], vector<16xi32>,
          %swap3A_156 = arith.index_cast %add3A_140 : i32 to index
          %swap3A_157 = tpu.vector_load %arg15[%swap3A_156] {strides = array<i32>} : memref<8192xi32, #tpu.memory_space<vmem>>, vector<16xi32>,
          tpu.vector_store %arg15[%swap3A_156], %gather3A_155 {strides = array<i32>} : memref<8192xi32, #tpu.memory_space<vmem>>, vector<16xi32>,
          %gather3A_158 = tpu.vector_load_idx %arg13[%min3A_150] : memref<12288xi32, #tpu.memory_space<vmem>>[vector<16xi32>], vector<16xi32>,
          %swap3A_159 = arith.index_cast %add3A_140 : i32 to index
          %swap3A_160 = tpu.vector_load %arg16[%swap3A_159] {strides = array<i32>} : memref<8192xi32, #tpu.memory_space<vmem>>, vector<16xi32>,
          tpu.vector_store %arg16[%swap3A_159], %gather3A_158 {strides = array<i32>} : memref<8192xi32, #tpu.memory_space<vmem>>, vector<16xi32>,
          %add3A_161 = arith.constant 16 : i32
          %add3A_162 = arith.addi %mul3A_138, %add3A_161 : i32
          %get3A_163 = arith.index_cast %add3A_162 : i32 to index
          %get3A_164 = tpu.vector_load %arg10[%get3A_163] {strides = array<i32>} : memref<8192xi32, #tpu.memory_space<vmem>>, vector<16xi32>,
          %sub3A_165 = vector.broadcast %mul3A_26 : i32 to vector<16xi32>
          %sub3A_166 = arith.subi %get3A_164, %sub3A_165 : vector<16xi32>
          %jit3A_167 = arith.constant 0 : i32
          %jit3A_168 = arith.constant 12287 : i32
          %max3A_169 = vector.broadcast %jit3A_167 : i32 to vector<16xi32>
          %max3A_170 = arith.maxsi %max3A_169, %sub3A_166 : vector<16xi32>
          %min3A_171 = vector.broadcast %jit3A_168 : i32 to vector<16xi32>
          %min3A_172 = arith.minsi %min3A_171, %max3A_170 : vector<16xi32>
          %gather3A_173 = tpu.vector_load_idx %arg11[%min3A_172] : memref<12288xf32, #tpu.memory_space<vmem>>[vector<16xi32>], vector<16xf32>,
          %mul3A_174 = arith.mulf %gather3A_173, %get3A_1 : vector<16xf32>
          %swap3A_175 = arith.index_cast %add3A_162 : i32 to index
          %swap3A_176 = tpu.vector_load %arg14[%swap3A_175] {strides = array<i32>} : memref<8192xf32, #tpu.memory_space<vmem>>, vector<16xf32>,
          tpu.vector_store %arg14[%swap3A_175], %mul3A_174 {strides = array<i32>} : memref<8192xf32, #tpu.memory_space<vmem>>, vector<16xf32>,
          %gather3A_177 = tpu.vector_load_idx %arg12[%min3A_172] : memref<12288xi32, #tpu.memory_space<vmem>>[vector<16xi32>], vector<16xi32>,
          %swap3A_178 = arith.index_cast %add3A_162 : i32 to index
          %swap3A_179 = tpu.vector_load %arg15[%swap3A_178] {strides = array<i32>} : memref<8192xi32, #tpu.memory_space<vmem>>, vector<16xi32>,
          tpu.vector_store %arg15[%swap3A_178], %gather3A_177 {strides = array<i32>} : memref<8192xi32, #tpu.memory_space<vmem>>, vector<16xi32>,
          %gather3A_180 = tpu.vector_load_idx %arg13[%min3A_172] : memref<12288xi32, #tpu.memory_space<vmem>>[vector<16xi32>], vector<16xi32>,
          %swap3A_181 = arith.index_cast %add3A_162 : i32 to index
          %swap3A_182 = tpu.vector_load %arg16[%swap3A_181] {strides = array<i32>} : memref<8192xi32, #tpu.memory_space<vmem>>, vector<16xi32>,
          tpu.vector_store %arg16[%swap3A_181], %gather3A_180 {strides = array<i32>} : memref<8192xi32, #tpu.memory_space<vmem>>, vector<16xi32>,
          %add3A_183 = arith.constant 32 : i32
          %add3A_184 = arith.addi %mul3A_138, %add3A_183 : i32
          %get3A_185 = arith.index_cast %add3A_184 : i32 to index
          %get3A_186 = tpu.vector_load %arg10[%get3A_185] {strides = array<i32>} : memref<8192xi32, #tpu.memory_space<vmem>>, vector<16xi32>,
          %sub3A_187 = vector.broadcast %mul3A_26 : i32 to vector<16xi32>
          %sub3A_188 = arith.subi %get3A_186, %sub3A_187 : vector<16xi32>
          %jit3A_189 = arith.constant 0 : i32
          %jit3A_190 = arith.constant 12287 : i32
          %max3A_191 = vector.broadcast %jit3A_189 : i32 to vector<16xi32>
          %max3A_192 = arith.maxsi %max3A_191, %sub3A_188 : vector<16xi32>
          %min3A_193 = vector.broadcast %jit3A_190 : i32 to vector<16xi32>
          %min3A_194 = arith.minsi %min3A_193, %max3A_192 : vector<16xi32>
          %gather3A_195 = tpu.vector_load_idx %arg11[%min3A_194] : memref<12288xf32, #tpu.memory_space<vmem>>[vector<16xi32>], vector<16xf32>,
          %mul3A_196 = arith.mulf %gather3A_195, %get3A_1 : vector<16xf32>
          %swap3A_197 = arith.index_cast %add3A_184 : i32 to index
          %swap3A_198 = tpu.vector_load %arg14[%swap3A_197] {strides = array<i32>} : memref<8192xf32, #tpu.memory_space<vmem>>, vector<16xf32>,
          tpu.vector_store %arg14[%swap3A_197], %mul3A_196 {strides = array<i32>} : memref<8192xf32, #tpu.memory_space<vmem>>, vector<16xf32>,
          %gather3A_199 = tpu.vector_load_idx %arg12[%min3A_194] : memref<12288xi32, #tpu.memory_space<vmem>>[vector<16xi32>], vector<16xi32>,
          %swap3A_200 = arith.index_cast %add3A_184 : i32 to index
          %swap3A_201 = tpu.vector_load %arg15[%swap3A_200] {strides = array<i32>} : memref<8192xi32, #tpu.memory_space<vmem>>, vector<16xi32>,
          tpu.vector_store %arg15[%swap3A_200], %gather3A_199 {strides = array<i32>} : memref<8192xi32, #tpu.memory_space<vmem>>, vector<16xi32>,
          %gather3A_202 = tpu.vector_load_idx %arg13[%min3A_194] : memref<12288xi32, #tpu.memory_space<vmem>>[vector<16xi32>], vector<16xi32>,
          %swap3A_203 = arith.index_cast %add3A_184 : i32 to index
          %swap3A_204 = tpu.vector_load %arg16[%swap3A_203] {strides = array<i32>} : memref<8192xi32, #tpu.memory_space<vmem>>, vector<16xi32>,
          tpu.vector_store %arg16[%swap3A_203], %gather3A_202 {strides = array<i32>} : memref<8192xi32, #tpu.memory_space<vmem>>, vector<16xi32>,
          %add3A_205 = arith.constant 48 : i32
          %add3A_206 = arith.addi %mul3A_138, %add3A_205 : i32
          %get3A_207 = arith.index_cast %add3A_206 : i32 to index
          %get3A_208 = tpu.vector_load %arg10[%get3A_207] {strides = array<i32>} : memref<8192xi32, #tpu.memory_space<vmem>>, vector<16xi32>,
          %sub3A_209 = vector.broadcast %mul3A_26 : i32 to vector<16xi32>
          %sub3A_210 = arith.subi %get3A_208, %sub3A_209 : vector<16xi32>
          %jit3A_211 = arith.constant 0 : i32
          %jit3A_212 = arith.constant 12287 : i32
          %max3A_213 = vector.broadcast %jit3A_211 : i32 to vector<16xi32>
          %max3A_214 = arith.maxsi %max3A_213, %sub3A_210 : vector<16xi32>
          %min3A_215 = vector.broadcast %jit3A_212 : i32 to vector<16xi32>
          %min3A_216 = arith.minsi %min3A_215, %max3A_214 : vector<16xi32>
          %gather3A_217 = tpu.vector_load_idx %arg11[%min3A_216] : memref<12288xf32, #tpu.memory_space<vmem>>[vector<16xi32>], vector<16xf32>,
          %mul3A_218 = arith.mulf %gather3A_217, %get3A_1 : vector<16xf32>
          %swap3A_219 = arith.index_cast %add3A_206 : i32 to index
          %swap3A_220 = tpu.vector_load %arg14[%swap3A_219] {strides = array<i32>} : memref<8192xf32, #tpu.memory_space<vmem>>, vector<16xf32>,
          tpu.vector_store %arg14[%swap3A_219], %mul3A_218 {strides = array<i32>} : memref<8192xf32, #tpu.memory_space<vmem>>, vector<16xf32>,
          %gather3A_221 = tpu.vector_load_idx %arg12[%min3A_216] : memref<12288xi32, #tpu.memory_space<vmem>>[vector<16xi32>], vector<16xi32>,
          %swap3A_222 = arith.index_cast %add3A_206 : i32 to index
          %swap3A_223 = tpu.vector_load %arg15[%swap3A_222] {strides = array<i32>} : memref<8192xi32, #tpu.memory_space<vmem>>, vector<16xi32>,
          tpu.vector_store %arg15[%swap3A_222], %gather3A_221 {strides = array<i32>} : memref<8192xi32, #tpu.memory_space<vmem>>, vector<16xi32>,
          %gather3A_224 = tpu.vector_load_idx %arg13[%min3A_216] : memref<12288xi32, #tpu.memory_space<vmem>>[vector<16xi32>], vector<16xi32>,
          %swap3A_225 = arith.index_cast %add3A_206 : i32 to index
          %swap3A_226 = tpu.vector_load %arg16[%swap3A_225] {strides = array<i32>} : memref<8192xi32, #tpu.memory_space<vmem>>, vector<16xi32>,
          tpu.vector_store %arg16[%swap3A_225], %gather3A_224 {strides = array<i32>} : memref<8192xi32, #tpu.memory_space<vmem>>, vector<16xi32>,
          %add3A_227 = arith.constant 64 : i32
          %add3A_228 = arith.addi %mul3A_138, %add3A_227 : i32
          %get3A_229 = arith.index_cast %add3A_228 : i32 to index
          %get3A_230 = tpu.vector_load %arg10[%get3A_229] {strides = array<i32>} : memref<8192xi32, #tpu.memory_space<vmem>>, vector<16xi32>,
          %sub3A_231 = vector.broadcast %mul3A_26 : i32 to vector<16xi32>
          %sub3A_232 = arith.subi %get3A_230, %sub3A_231 : vector<16xi32>
          %jit3A_233 = arith.constant 0 : i32
          %jit3A_234 = arith.constant 12287 : i32
          %max3A_235 = vector.broadcast %jit3A_233 : i32 to vector<16xi32>
          %max3A_236 = arith.maxsi %max3A_235, %sub3A_232 : vector<16xi32>
          %min3A_237 = vector.broadcast %jit3A_234 : i32 to vector<16xi32>
          %min3A_238 = arith.minsi %min3A_237, %max3A_236 : vector<16xi32>
          %gather3A_239 = tpu.vector_load_idx %arg11[%min3A_238] : memref<12288xf32, #tpu.memory_space<vmem>>[vector<16xi32>], vector<16xf32>,
          %mul3A_240 = arith.mulf %gather3A_239, %get3A_1 : vector<16xf32>
          %swap3A_241 = arith.index_cast %add3A_228 : i32 to index
          %swap3A_242 = tpu.vector_load %arg14[%swap3A_241] {strides = array<i32>} : memref<8192xf32, #tpu.memory_space<vmem>>, vector<16xf32>,
          tpu.vector_store %arg14[%swap3A_241], %mul3A_240 {strides = array<i32>} : memref<8192xf32, #tpu.memory_space<vmem>>, vector<16xf32>,
          %gather3A_243 = tpu.vector_load_idx %arg12[%min3A_238] : memref<12288xi32, #tpu.memory_space<vmem>>[vector<16xi32>], vector<16xi32>,
          %swap3A_244 = arith.index_cast %add3A_228 : i32 to index
          %swap3A_245 = tpu.vector_load %arg15[%swap3A_244] {strides = array<i32>} : memref<8192xi32, #tpu.memory_space<vmem>>, vector<16xi32>,
          tpu.vector_store %arg15[%swap3A_244], %gather3A_243 {strides = array<i32>} : memref<8192xi32, #tpu.memory_space<vmem>>, vector<16xi32>,
          %gather3A_246 = tpu.vector_load_idx %arg13[%min3A_238] : memref<12288xi32, #tpu.memory_space<vmem>>[vector<16xi32>], vector<16xi32>,
          %swap3A_247 = arith.index_cast %add3A_228 : i32 to index
          %swap3A_248 = tpu.vector_load %arg16[%swap3A_247] {strides = array<i32>} : memref<8192xi32, #tpu.memory_space<vmem>>, vector<16xi32>,
          tpu.vector_store %arg16[%swap3A_247], %gather3A_246 {strides = array<i32>} : memref<8192xi32, #tpu.memory_space<vmem>>, vector<16xi32>,
          %add3A_249 = arith.constant 80 : i32
          %add3A_250 = arith.addi %mul3A_138, %add3A_249 : i32
          %get3A_251 = arith.index_cast %add3A_250 : i32 to index
          %get3A_252 = tpu.vector_load %arg10[%get3A_251] {strides = array<i32>} : memref<8192xi32, #tpu.memory_space<vmem>>, vector<16xi32>,
          %sub3A_253 = vector.broadcast %mul3A_26 : i32 to vector<16xi32>
          %sub3A_254 = arith.subi %get3A_252, %sub3A_253 : vector<16xi32>
          %jit3A_255 = arith.constant 0 : i32
          %jit3A_256 = arith.constant 12287 : i32
          %max3A_257 = vector.broadcast %jit3A_255 : i32 to vector<16xi32>
          %max3A_258 = arith.maxsi %max3A_257, %sub3A_254 : vector<16xi32>
          %min3A_259 = vector.broadcast %jit3A_256 : i32 to vector<16xi32>
          %min3A_260 = arith.minsi %min3A_259, %max3A_258 : vector<16xi32>
          %gather3A_261 = tpu.vector_load_idx %arg11[%min3A_260] : memref<12288xf32, #tpu.memory_space<vmem>>[vector<16xi32>], vector<16xf32>,
          %mul3A_262 = arith.mulf %gather3A_261, %get3A_1 : vector<16xf32>
          %swap3A_263 = arith.index_cast %add3A_250 : i32 to index
          %swap3A_264 = tpu.vector_load %arg14[%swap3A_263] {strides = array<i32>} : memref<8192xf32, #tpu.memory_space<vmem>>, vector<16xf32>,
          tpu.vector_store %arg14[%swap3A_263], %mul3A_262 {strides = array<i32>} : memref<8192xf32, #tpu.memory_space<vmem>>, vector<16xf32>,
          %gather3A_265 = tpu.vector_load_idx %arg12[%min3A_260] : memref<12288xi32, #tpu.memory_space<vmem>>[vector<16xi32>], vector<16xi32>,
          %swap3A_266 = arith.index_cast %add3A_250 : i32 to index
          %swap3A_267 = tpu.vector_load %arg15[%swap3A_266] {strides = array<i32>} : memref<8192xi32, #tpu.memory_space<vmem>>, vector<16xi32>,
          tpu.vector_store %arg15[%swap3A_266], %gather3A_265 {strides = array<i32>} : memref<8192xi32, #tpu.memory_space<vmem>>, vector<16xi32>,
          %gather3A_268 = tpu.vector_load_idx %arg13[%min3A_260] : memref<12288xi32, #tpu.memory_space<vmem>>[vector<16xi32>], vector<16xi32>,
          %swap3A_269 = arith.index_cast %add3A_250 : i32 to index
          %swap3A_270 = tpu.vector_load %arg16[%swap3A_269] {strides = array<i32>} : memref<8192xi32, #tpu.memory_space<vmem>>, vector<16xi32>,
          tpu.vector_store %arg16[%swap3A_269], %gather3A_268 {strides = array<i32>} : memref<8192xi32, #tpu.memory_space<vmem>>, vector<16xi32>,
          %add3A_271 = arith.constant 96 : i32
          %add3A_272 = arith.addi %mul3A_138, %add3A_271 : i32
          %get3A_273 = arith.index_cast %add3A_272 : i32 to index
          %get3A_274 = tpu.vector_load %arg10[%get3A_273] {strides = array<i32>} : memref<8192xi32, #tpu.memory_space<vmem>>, vector<16xi32>,
          %sub3A_275 = vector.broadcast %mul3A_26 : i32 to vector<16xi32>
          %sub3A_276 = arith.subi %get3A_274, %sub3A_275 : vector<16xi32>
          %jit3A_277 = arith.constant 0 : i32
          %jit3A_278 = arith.constant 12287 : i32
          %max3A_279 = vector.broadcast %jit3A_277 : i32 to vector<16xi32>
          %max3A_280 = arith.maxsi %max3A_279, %sub3A_276 : vector<16xi32>
          %min3A_281 = vector.broadcast %jit3A_278 : i32 to vector<16xi32>
          %min3A_282 = arith.minsi %min3A_281, %max3A_280 : vector<16xi32>
          %gather3A_283 = tpu.vector_load_idx %arg11[%min3A_282] : memref<12288xf32, #tpu.memory_space<vmem>>[vector<16xi32>], vector<16xf32>,
          %mul3A_284 = arith.mulf %gather3A_283, %get3A_1 : vector<16xf32>
          %swap3A_285 = arith.index_cast %add3A_272 : i32 to index
          %swap3A_286 = tpu.vector_load %arg14[%swap3A_285] {strides = array<i32>} : memref<8192xf32, #tpu.memory_space<vmem>>, vector<16xf32>,
          tpu.vector_store %arg14[%swap3A_285], %mul3A_284 {strides = array<i32>} : memref<8192xf32, #tpu.memory_space<vmem>>, vector<16xf32>,
          %gather3A_287 = tpu.vector_load_idx %arg12[%min3A_282] : memref<12288xi32, #tpu.memory_space<vmem>>[vector<16xi32>], vector<16xi32>,
          %swap3A_288 = arith.index_cast %add3A_272 : i32 to index
          %swap3A_289 = tpu.vector_load %arg15[%swap3A_288] {strides = array<i32>} : memref<8192xi32, #tpu.memory_space<vmem>>, vector<16xi32>,
          tpu.vector_store %arg15[%swap3A_288], %gather3A_287 {strides = array<i32>} : memref<8192xi32, #tpu.memory_space<vmem>>, vector<16xi32>,
          %gather3A_290 = tpu.vector_load_idx %arg13[%min3A_282] : memref<12288xi32, #tpu.memory_space<vmem>>[vector<16xi32>], vector<16xi32>,
          %swap3A_291 = arith.index_cast %add3A_272 : i32 to index
          %swap3A_292 = tpu.vector_load %arg16[%swap3A_291] {strides = array<i32>} : memref<8192xi32, #tpu.memory_space<vmem>>, vector<16xi32>,
          tpu.vector_store %arg16[%swap3A_291], %gather3A_290 {strides = array<i32>} : memref<8192xi32, #tpu.memory_space<vmem>>, vector<16xi32>,
          %add3A_293 = arith.constant 112 : i32
          %add3A_294 = arith.addi %mul3A_138, %add3A_293 : i32
          %get3A_295 = arith.index_cast %add3A_294 : i32 to index
          %get3A_296 = tpu.vector_load %arg10[%get3A_295] {strides = array<i32>} : memref<8192xi32, #tpu.memory_space<vmem>>, vector<16xi32>,
          %sub3A_297 = vector.broadcast %mul3A_26 : i32 to vector<16xi32>
          %sub3A_298 = arith.subi %get3A_296, %sub3A_297 : vector<16xi32>
          %jit3A_299 = arith.constant 0 : i32
          %jit3A_300 = arith.constant 12287 : i32
          %max3A_301 = vector.broadcast %jit3A_299 : i32 to vector<16xi32>
          %max3A_302 = arith.maxsi %max3A_301, %sub3A_298 : vector<16xi32>
          %min3A_303 = vector.broadcast %jit3A_300 : i32 to vector<16xi32>
          %min3A_304 = arith.minsi %min3A_303, %max3A_302 : vector<16xi32>
          %gather3A_305 = tpu.vector_load_idx %arg11[%min3A_304] : memref<12288xf32, #tpu.memory_space<vmem>>[vector<16xi32>], vector<16xf32>,
          %mul3A_306 = arith.mulf %gather3A_305, %get3A_1 : vector<16xf32>
          %swap3A_307 = arith.index_cast %add3A_294 : i32 to index
          %swap3A_308 = tpu.vector_load %arg14[%swap3A_307] {strides = array<i32>} : memref<8192xf32, #tpu.memory_space<vmem>>, vector<16xf32>,
          tpu.vector_store %arg14[%swap3A_307], %mul3A_306 {strides = array<i32>} : memref<8192xf32, #tpu.memory_space<vmem>>, vector<16xf32>,
          %gather3A_309 = tpu.vector_load_idx %arg12[%min3A_304] : memref<12288xi32, #tpu.memory_space<vmem>>[vector<16xi32>], vector<16xi32>,
          %swap3A_310 = arith.index_cast %add3A_294 : i32 to index
          %swap3A_311 = tpu.vector_load %arg15[%swap3A_310] {strides = array<i32>} : memref<8192xi32, #tpu.memory_space<vmem>>, vector<16xi32>,
          tpu.vector_store %arg15[%swap3A_310], %gather3A_309 {strides = array<i32>} : memref<8192xi32, #tpu.memory_space<vmem>>, vector<16xi32>,
          %gather3A_312 = tpu.vector_load_idx %arg13[%min3A_304] : memref<12288xi32, #tpu.memory_space<vmem>>[vector<16xi32>], vector<16xi32>,
          %swap3A_313 = arith.index_cast %add3A_294 : i32 to index
          %swap3A_314 = tpu.vector_load %arg16[%swap3A_313] {strides = array<i32>} : memref<8192xi32, #tpu.memory_space<vmem>>, vector<16xi32>,
          tpu.vector_store %arg16[%swap3A_313], %gather3A_312 {strides = array<i32>} : memref<8192xi32, #tpu.memory_space<vmem>>, vector<16xi32>,
        }
        %scan3A_98 = arith.constant 59 : i32
        %get3A_99 = arith.constant 7552 : index
        %get3A_100 = tpu.vector_load %arg10[%get3A_99] {strides = array<i32>} : memref<8192xi32, #tpu.memory_space<vmem>>, vector<16xi32>,
        %sub3A_101 = vector.broadcast %mul3A_26 : i32 to vector<16xi32>
        %sub3A_102 = arith.subi %get3A_100, %sub3A_101 : vector<16xi32>
        %jit3A_103 = arith.constant 0 : i32
        %jit3A_104 = arith.constant 12287 : i32
        %max3A = vector.broadcast %jit3A_103 : i32 to vector<16xi32>
        %max3A_105 = arith.maxsi %max3A, %sub3A_102 : vector<16xi32>
        %min3A_106 = vector.broadcast %jit3A_104 : i32 to vector<16xi32>
        %min3A_107 = arith.minsi %min3A_106, %max3A_105 : vector<16xi32>
        %gather3A = tpu.vector_load_idx %arg11[%min3A_107] : memref<12288xf32, #tpu.memory_space<vmem>>[vector<16xi32>], vector<16xf32>,
        %mul3A_108 = arith.mulf %gather3A, %get3A_1 : vector<16xf32>
        %swap3A = arith.constant 7552 : index
        %swap3A_109 = tpu.vector_load %arg14[%swap3A] {strides = array<i32>} : memref<8192xf32, #tpu.memory_space<vmem>>, vector<16xf32>,
        tpu.vector_store %arg14[%swap3A], %mul3A_108 {strides = array<i32>} : memref<8192xf32, #tpu.memory_space<vmem>>, vector<16xf32>,
        %gather3A_110 = tpu.vector_load_idx %arg12[%min3A_107] : memref<12288xi32, #tpu.memory_space<vmem>>[vector<16xi32>], vector<16xi32>,
        %swap3A_111 = arith.constant 7552 : index
        %swap3A_112 = tpu.vector_load %arg15[%swap3A_111] {strides = array<i32>} : memref<8192xi32, #tpu.memory_space<vmem>>, vector<16xi32>,
        tpu.vector_store %arg15[%swap3A_111], %gather3A_110 {strides = array<i32>} : memref<8192xi32, #tpu.memory_space<vmem>>, vector<16xi32>,
        %gather3A_113 = tpu.vector_load_idx %arg13[%min3A_107] : memref<12288xi32, #tpu.memory_space<vmem>>[vector<16xi32>], vector<16xi32>,
        %swap3A_114 = arith.constant 7552 : index
        %swap3A_115 = tpu.vector_load %arg16[%swap3A_114] {strides = array<i32>} : memref<8192xi32, #tpu.memory_space<vmem>>, vector<16xi32>,
        tpu.vector_store %arg16[%swap3A_114], %gather3A_113 {strides = array<i32>} : memref<8192xi32, #tpu.memory_space<vmem>>, vector<16xi32>,
        %get3A_116 = arith.constant 7568 : index
        %get3A_117 = tpu.vector_load %arg10[%get3A_116] {strides = array<i32>} : memref<8192xi32, #tpu.memory_space<vmem>>, vector<16xi32>,
        %sub3A_118 = vector.broadcast %mul3A_26 : i32 to vector<16xi32>
        %sub3A_119 = arith.subi %get3A_117, %sub3A_118 : vector<16xi32>
        %jit3A_120 = arith.constant 0 : i32
        %jit3A_121 = arith.constant 12287 : i32
        %max3A_122 = vector.broadcast %jit3A_120 : i32 to vector<16xi32>
        %max3A_123 = arith.maxsi %max3A_122, %sub3A_119 : vector<16xi32>
        %min3A_124 = vector.broadcast %jit3A_121 : i32 to vector<16xi32>
        %min3A_125 = arith.minsi %min3A_124, %max3A_123 : vector<16xi32>
        %gather3A_126 = tpu.vector_load_idx %arg11[%min3A_125] : memref<12288xf32, #tpu.memory_space<vmem>>[vector<16xi32>], vector<16xf32>,
        %mul3A_127 = arith.mulf %gather3A_126, %get3A_1 : vector<16xf32>
        %swap3A_128 = arith.constant 7568 : index
        %swap3A_129 = tpu.vector_load %arg14[%swap3A_128] {strides = array<i32>} : memref<8192xf32, #tpu.memory_space<vmem>>, vector<16xf32>,
        tpu.vector_store %arg14[%swap3A_128], %mul3A_127 {strides = array<i32>} : memref<8192xf32, #tpu.memory_space<vmem>>, vector<16xf32>,
        %gather3A_130 = tpu.vector_load_idx %arg12[%min3A_125] : memref<12288xi32, #tpu.memory_space<vmem>>[vector<16xi32>], vector<16xi32>,
        %swap3A_131 = arith.constant 7568 : index
        %swap3A_132 = tpu.vector_load %arg15[%swap3A_131] {strides = array<i32>} : memref<8192xi32, #tpu.memory_space<vmem>>, vector<16xi32>,
        tpu.vector_store %arg15[%swap3A_131], %gather3A_130 {strides = array<i32>} : memref<8192xi32, #tpu.memory_space<vmem>>, vector<16xi32>,
        %gather3A_133 = tpu.vector_load_idx %arg13[%min3A_125] : memref<12288xi32, #tpu.memory_space<vmem>>[vector<16xi32>], vector<16xi32>,
        %swap3A_134 = arith.constant 7568 : index
        %swap3A_135 = tpu.vector_load %arg16[%swap3A_134] {strides = array<i32>} : memref<8192xi32, #tpu.memory_space<vmem>>, vector<16xi32>,
        tpu.vector_store %arg16[%swap3A_134], %gather3A_133 {strides = array<i32>} : memref<8192xi32, #tpu.memory_space<vmem>>, vector<16xi32>,
      } else {
      }
      %not3A = arith.constant true
      %not3A_32 = arith.xori %lt3A_28, %not3A : i1
      %convert_element_type3A_33 = arith.extui %not3A_32 : i1 to i32
      %cond3A_34 = arith.constant 0 : i32
      %cond3A_35 = arith.cmpi ne, %convert_element_type3A_33, %cond3A_34 : i32
      scf.if %cond3A_35 {
        %dma_start3A_82 = arith.constant 0 : i32
        %dma_start3A_83 = tpu.memref_slice %arg14[%dma_start3A_82] : memref<8192xf32, #tpu.memory_space<vmem>> -> memref<7577xf32, #tpu.memory_space<vmem>>
        %dma_start3A_84 = arith.constant 0 : i32
        %dma_start3A_85 = tpu.memref_slice %arg10[%dma_start3A_84] : memref<8192xi32, #tpu.memory_space<vmem>> -> memref<7577xi32, #tpu.memory_space<vmem>>
        %dma_start3A_86 = arith.constant 0 : i32
        %dma_start3A_87 = tpu.memref_slice %arg2[%dma_start3A_86] : memref<6400000xf32, #tpu.memory_space<hbm>> -> memref<6400000xf32, #tpu.memory_space<hbm>>
        tpu.enqueue_indirect_dma source(%dma_start3A_87 : memref<6400000xf32, #tpu.memory_space<hbm>>) target(%dma_start3A_83 : memref<7577xf32, #tpu.memory_space<vmem>>) offsets(%dma_start3A_85 : memref<7577xi32, #tpu.memory_space<vmem>>) semaphore(%arg18 : memref<!tpu.dma_semaphore, #tpu.memory_space<semaphore_mem>>)
        %dma_start3A_88 = arith.constant 0 : i32
        %dma_start3A_89 = tpu.memref_slice %arg15[%dma_start3A_88] : memref<8192xi32, #tpu.memory_space<vmem>> -> memref<7577xi32, #tpu.memory_space<vmem>>
        %dma_start3A_90 = arith.constant 0 : i32
        %dma_start3A_91 = tpu.memref_slice %arg10[%dma_start3A_90] : memref<8192xi32, #tpu.memory_space<vmem>> -> memref<7577xi32, #tpu.memory_space<vmem>>
        %dma_start3A_92 = arith.constant 0 : i32
        %dma_start3A_93 = tpu.memref_slice %arg3[%dma_start3A_92] : memref<6400000xi32, #tpu.memory_space<hbm>> -> memref<6400000xi32, #tpu.memory_space<hbm>>
        tpu.enqueue_indirect_dma source(%dma_start3A_93 : memref<6400000xi32, #tpu.memory_space<hbm>>) target(%dma_start3A_89 : memref<7577xi32, #tpu.memory_space<vmem>>) offsets(%dma_start3A_91 : memref<7577xi32, #tpu.memory_space<vmem>>) semaphore(%arg18 : memref<!tpu.dma_semaphore, #tpu.memory_space<semaphore_mem>>)
        %dma_start3A_94 = arith.constant 0 : i32
        %dma_start3A_95 = tpu.memref_slice %arg16[%dma_start3A_94] : memref<8192xi32, #tpu.memory_space<vmem>> -> memref<7577xi32, #tpu.memory_space<vmem>>
        %dma_start3A_96 = arith.constant 0 : i32
        %dma_start3A_97 = tpu.memref_slice %arg10[%dma_start3A_96] : memref<8192xi32, #tpu.memory_space<vmem>> -> memref<7577xi32, #tpu.memory_space<vmem>>
        %dma_start3A_98 = arith.constant 0 : i32
        %dma_start3A_99 = tpu.memref_slice %arg4[%dma_start3A_98] : memref<6400000xi32, #tpu.memory_space<hbm>> -> memref<6400000xi32, #tpu.memory_space<hbm>>
        tpu.enqueue_indirect_dma source(%dma_start3A_99 : memref<6400000xi32, #tpu.memory_space<hbm>>) target(%dma_start3A_95 : memref<7577xi32, #tpu.memory_space<vmem>>) offsets(%dma_start3A_97 : memref<7577xi32, #tpu.memory_space<vmem>>) semaphore(%arg18 : memref<!tpu.dma_semaphore, #tpu.memory_space<semaphore_mem>>)
        %dma_wait3A_100 = arith.constant 0 : i32
        %dma_wait3A_101 = tpu.memref_slice %arg14[%dma_wait3A_100] : memref<8192xf32, #tpu.memory_space<vmem>> -> memref<7577xf32, #tpu.memory_space<vmem>>
        %dma_wait3A_102 = arith.constant 0 : i32
        %dma_wait3A_103 = tpu.memref_slice %arg10[%dma_wait3A_102] : memref<8192xi32, #tpu.memory_space<vmem>> -> memref<7577xi32, #tpu.memory_space<vmem>>
        %dma_wait3A_104 = arith.constant 0 : i32
        %dma_wait3A_105 = tpu.memref_slice %arg2[%dma_wait3A_104] : memref<6400000xf32, #tpu.memory_space<hbm>> -> memref<6400000xf32, #tpu.memory_space<hbm>>
        tpu.wait_indirect_dma semaphore(%arg18 : memref<!tpu.dma_semaphore, #tpu.memory_space<semaphore_mem>>) src(%dma_wait3A_105 : memref<6400000xf32, #tpu.memory_space<hbm>>) dst(%dma_wait3A_101 : memref<7577xf32, #tpu.memory_space<vmem>>)
        %dma_wait3A_106 = arith.constant 0 : i32
        %dma_wait3A_107 = tpu.memref_slice %arg15[%dma_wait3A_106] : memref<8192xi32, #tpu.memory_space<vmem>> -> memref<7577xi32, #tpu.memory_space<vmem>>
        %dma_wait3A_108 = arith.constant 0 : i32
        %dma_wait3A_109 = tpu.memref_slice %arg10[%dma_wait3A_108] : memref<8192xi32, #tpu.memory_space<vmem>> -> memref<7577xi32, #tpu.memory_space<vmem>>
        %dma_wait3A_110 = arith.constant 0 : i32
        %dma_wait3A_111 = tpu.memref_slice %arg3[%dma_wait3A_110] : memref<6400000xi32, #tpu.memory_space<hbm>> -> memref<6400000xi32, #tpu.memory_space<hbm>>
        tpu.wait_indirect_dma semaphore(%arg18 : memref<!tpu.dma_semaphore, #tpu.memory_space<semaphore_mem>>) src(%dma_wait3A_111 : memref<6400000xi32, #tpu.memory_space<hbm>>) dst(%dma_wait3A_107 : memref<7577xi32, #tpu.memory_space<vmem>>)
        %dma_wait3A_112 = arith.constant 0 : i32
        %dma_wait3A_113 = tpu.memref_slice %arg16[%dma_wait3A_112] : memref<8192xi32, #tpu.memory_space<vmem>> -> memref<7577xi32, #tpu.memory_space<vmem>>
        %dma_wait3A_114 = arith.constant 0 : i32
        %dma_wait3A_115 = tpu.memref_slice %arg10[%dma_wait3A_114] : memref<8192xi32, #tpu.memory_space<vmem>> -> memref<7577xi32, #tpu.memory_space<vmem>>
        %dma_wait3A_116 = arith.constant 0 : i32
        %dma_wait3A_117 = tpu.memref_slice %arg4[%dma_wait3A_116] : memref<6400000xi32, #tpu.memory_space<hbm>> -> memref<6400000xi32, #tpu.memory_space<hbm>>
        tpu.wait_indirect_dma semaphore(%arg18 : memref<!tpu.dma_semaphore, #tpu.memory_space<semaphore_mem>>) src(%dma_wait3A_117 : memref<6400000xi32, #tpu.memory_space<hbm>>) dst(%dma_wait3A_113 : memref<7577xi32, #tpu.memory_space<vmem>>)
        %scan3A = arith.constant 0 : i32
        %scan3A_118 = arith.constant 0 : i32
        %scan3A_119 = arith.constant 59 : i32
        %scan3A_120 = arith.addi %scan3A_118, %scan3A_119 : i32
        %scan3A_121 = arith.constant 1 : i32
        scf.for %scan3A_132 = %scan3A_118 to %scan3A_120 step %scan3A_121  : i32 {
          %mul3A_133 = arith.constant 128 : i32
          %mul3A_134 = arith.muli %scan3A_132, %mul3A_133 : i32
          %add3A_135 = arith.constant 0 : i32
          %add3A_136 = arith.addi %mul3A_134, %add3A_135 : i32
          %get3A_137 = arith.index_cast %add3A_136 : i32 to index
          %get3A_138 = tpu.vector_load %arg14[%get3A_137] {strides = array<i32>} : memref<8192xf32, #tpu.memory_space<vmem>>, vector<16xf32>,
          %mul3A_139 = arith.mulf %get3A_138, %get3A_1 : vector<16xf32>
          %swap3A_140 = arith.index_cast %add3A_136 : i32 to index
          %swap3A_141 = tpu.vector_load %arg14[%swap3A_140] {strides = array<i32>} : memref<8192xf32, #tpu.memory_space<vmem>>, vector<16xf32>,
          tpu.vector_store %arg14[%swap3A_140], %mul3A_139 {strides = array<i32>} : memref<8192xf32, #tpu.memory_space<vmem>>, vector<16xf32>,
          %add3A_142 = arith.constant 16 : i32
          %add3A_143 = arith.addi %mul3A_134, %add3A_142 : i32
          %get3A_144 = arith.index_cast %add3A_143 : i32 to index
          %get3A_145 = tpu.vector_load %arg14[%get3A_144] {strides = array<i32>} : memref<8192xf32, #tpu.memory_space<vmem>>, vector<16xf32>,
          %mul3A_146 = arith.mulf %get3A_145, %get3A_1 : vector<16xf32>
          %swap3A_147 = arith.index_cast %add3A_143 : i32 to index
          %swap3A_148 = tpu.vector_load %arg14[%swap3A_147] {strides = array<i32>} : memref<8192xf32, #tpu.memory_space<vmem>>, vector<16xf32>,
          tpu.vector_store %arg14[%swap3A_147], %mul3A_146 {strides = array<i32>} : memref<8192xf32, #tpu.memory_space<vmem>>, vector<16xf32>,
          %add3A_149 = arith.constant 32 : i32
          %add3A_150 = arith.addi %mul3A_134, %add3A_149 : i32
          %get3A_151 = arith.index_cast %add3A_150 : i32 to index
          %get3A_152 = tpu.vector_load %arg14[%get3A_151] {strides = array<i32>} : memref<8192xf32, #tpu.memory_space<vmem>>, vector<16xf32>,
          %mul3A_153 = arith.mulf %get3A_152, %get3A_1 : vector<16xf32>
          %swap3A_154 = arith.index_cast %add3A_150 : i32 to index
          %swap3A_155 = tpu.vector_load %arg14[%swap3A_154] {strides = array<i32>} : memref<8192xf32, #tpu.memory_space<vmem>>, vector<16xf32>,
          tpu.vector_store %arg14[%swap3A_154], %mul3A_153 {strides = array<i32>} : memref<8192xf32, #tpu.memory_space<vmem>>, vector<16xf32>,
          %add3A_156 = arith.constant 48 : i32
          %add3A_157 = arith.addi %mul3A_134, %add3A_156 : i32
          %get3A_158 = arith.index_cast %add3A_157 : i32 to index
          %get3A_159 = tpu.vector_load %arg14[%get3A_158] {strides = array<i32>} : memref<8192xf32, #tpu.memory_space<vmem>>, vector<16xf32>,
          %mul3A_160 = arith.mulf %get3A_159, %get3A_1 : vector<16xf32>
          %swap3A_161 = arith.index_cast %add3A_157 : i32 to index
          %swap3A_162 = tpu.vector_load %arg14[%swap3A_161] {strides = array<i32>} : memref<8192xf32, #tpu.memory_space<vmem>>, vector<16xf32>,
          tpu.vector_store %arg14[%swap3A_161], %mul3A_160 {strides = array<i32>} : memref<8192xf32, #tpu.memory_space<vmem>>, vector<16xf32>,
          %add3A_163 = arith.constant 64 : i32
          %add3A_164 = arith.addi %mul3A_134, %add3A_163 : i32
          %get3A_165 = arith.index_cast %add3A_164 : i32 to index
          %get3A_166 = tpu.vector_load %arg14[%get3A_165] {strides = array<i32>} : memref<8192xf32, #tpu.memory_space<vmem>>, vector<16xf32>,
          %mul3A_167 = arith.mulf %get3A_166, %get3A_1 : vector<16xf32>
          %swap3A_168 = arith.index_cast %add3A_164 : i32 to index
          %swap3A_169 = tpu.vector_load %arg14[%swap3A_168] {strides = array<i32>} : memref<8192xf32, #tpu.memory_space<vmem>>, vector<16xf32>,
          tpu.vector_store %arg14[%swap3A_168], %mul3A_167 {strides = array<i32>} : memref<8192xf32, #tpu.memory_space<vmem>>, vector<16xf32>,
          %add3A_170 = arith.constant 80 : i32
          %add3A_171 = arith.addi %mul3A_134, %add3A_170 : i32
          %get3A_172 = arith.index_cast %add3A_171 : i32 to index
          %get3A_173 = tpu.vector_load %arg14[%get3A_172] {strides = array<i32>} : memref<8192xf32, #tpu.memory_space<vmem>>, vector<16xf32>,
          %mul3A_174 = arith.mulf %get3A_173, %get3A_1 : vector<16xf32>
          %swap3A_175 = arith.index_cast %add3A_171 : i32 to index
          %swap3A_176 = tpu.vector_load %arg14[%swap3A_175] {strides = array<i32>} : memref<8192xf32, #tpu.memory_space<vmem>>, vector<16xf32>,
          tpu.vector_store %arg14[%swap3A_175], %mul3A_174 {strides = array<i32>} : memref<8192xf32, #tpu.memory_space<vmem>>, vector<16xf32>,
          %add3A_177 = arith.constant 96 : i32
          %add3A_178 = arith.addi %mul3A_134, %add3A_177 : i32
          %get3A_179 = arith.index_cast %add3A_178 : i32 to index
          %get3A_180 = tpu.vector_load %arg14[%get3A_179] {strides = array<i32>} : memref<8192xf32, #tpu.memory_space<vmem>>, vector<16xf32>,
          %mul3A_181 = arith.mulf %get3A_180, %get3A_1 : vector<16xf32>
          %swap3A_182 = arith.index_cast %add3A_178 : i32 to index
          %swap3A_183 = tpu.vector_load %arg14[%swap3A_182] {strides = array<i32>} : memref<8192xf32, #tpu.memory_space<vmem>>, vector<16xf32>,
          tpu.vector_store %arg14[%swap3A_182], %mul3A_181 {strides = array<i32>} : memref<8192xf32, #tpu.memory_space<vmem>>, vector<16xf32>,
          %add3A_184 = arith.constant 112 : i32
          %add3A_185 = arith.addi %mul3A_134, %add3A_184 : i32
          %get3A_186 = arith.index_cast %add3A_185 : i32 to index
          %get3A_187 = tpu.vector_load %arg14[%get3A_186] {strides = array<i32>} : memref<8192xf32, #tpu.memory_space<vmem>>, vector<16xf32>,
          %mul3A_188 = arith.mulf %get3A_187, %get3A_1 : vector<16xf32>
          %swap3A_189 = arith.index_cast %add3A_185 : i32 to index
          %swap3A_190 = tpu.vector_load %arg14[%swap3A_189] {strides = array<i32>} : memref<8192xf32, #tpu.memory_space<vmem>>, vector<16xf32>,
          tpu.vector_store %arg14[%swap3A_189], %mul3A_188 {strides = array<i32>} : memref<8192xf32, #tpu.memory_space<vmem>>, vector<16xf32>,
        }
        %scan3A_122 = arith.constant 59 : i32
        %get3A_123 = arith.constant 7552 : index
        %get3A_124 = tpu.vector_load %arg14[%get3A_123] {strides = array<i32>} : memref<8192xf32, #tpu.memory_space<vmem>>, vector<16xf32>,
        %mul3A_125 = arith.mulf %get3A_124, %get3A_1 : vector<16xf32>
        %swap3A = arith.constant 7552 : index
        %swap3A_126 = tpu.vector_load %arg14[%swap3A] {strides = array<i32>} : memref<8192xf32, #tpu.memory_space<vmem>>, vector<16xf32>,
        tpu.vector_store %arg14[%swap3A], %mul3A_125 {strides = array<i32>} : memref<8192xf32, #tpu.memory_space<vmem>>, vector<16xf32>,
        %get3A_127 = arith.constant 7568 : index
        %get3A_128 = tpu.vector_load %arg14[%get3A_127] {strides = array<i32>} : memref<8192xf32, #tpu.memory_space<vmem>>, vector<16xf32>,
        %mul3A_129 = arith.mulf %get3A_128, %get3A_1 : vector<16xf32>
        %swap3A_130 = arith.constant 7568 : index
        %swap3A_131 = tpu.vector_load %arg14[%swap3A_130] {strides = array<i32>} : memref<8192xf32, #tpu.memory_space<vmem>>, vector<16xf32>,
        tpu.vector_store %arg14[%swap3A_130], %mul3A_129 {strides = array<i32>} : memref<8192xf32, #tpu.memory_space<vmem>>, vector<16xf32>,
      } else {
      }
      %dma_start3A = arith.constant 0 : i32
      %dma_start3A_36 = tpu.memref_slice %arg15[%dma_start3A] : memref<8192xi32, #tpu.memory_space<vmem>> -> memref<7577xi32, #tpu.memory_space<vmem>>
      %dma_start3A_37 = arith.constant 5111808 : i32
      %dma_start3A_38 = tpu.memref_slice %arg7[%dma_start3A_37] : memref<5119385xi32, #tpu.memory_space<hbm>> -> memref<7577xi32, #tpu.memory_space<hbm>>
      %dma_start3A_39 = arith.constant 5111808 : i32
      %dma_start3A_40 = tpu.memref_slice %arg7[%dma_start3A_39] : memref<5119385xi32, #tpu.memory_space<hbm>> -> memref<7577xi32, #tpu.memory_space<hbm>>
      %dma_start3A_41 = arith.constant 0 : i32
      %dma_start3A_42 = tpu.memref_slice %arg15[%dma_start3A_41] : memref<8192xi32, #tpu.memory_space<vmem>> -> memref<7577xi32, #tpu.memory_space<vmem>>
      tpu.enqueue_dma source(%dma_start3A_42 : memref<7577xi32, #tpu.memory_space<vmem>>) target(%dma_start3A_40 : memref<7577xi32, #tpu.memory_space<hbm>>) target_semaphore(%arg19 : memref<!tpu.dma_semaphore, #tpu.memory_space<semaphore_mem>>)
      %dma_start3A_43 = arith.constant 0 : i32
      %dma_start3A_44 = tpu.memref_slice %arg16[%dma_start3A_43] : memref<8192xi32, #tpu.memory_space<vmem>> -> memref<7577xi32, #tpu.memory_space<vmem>>
      %dma_start3A_45 = arith.constant 5111808 : i32
      %dma_start3A_46 = tpu.memref_slice %arg8[%dma_start3A_45] : memref<5119385xi32, #tpu.memory_space<hbm>> -> memref<7577xi32, #tpu.memory_space<hbm>>
      %dma_start3A_47 = arith.constant 5111808 : i32
      %dma_start3A_48 = tpu.memref_slice %arg8[%dma_start3A_47] : memref<5119385xi32, #tpu.memory_space<hbm>> -> memref<7577xi32, #tpu.memory_space<hbm>>
      %dma_start3A_49 = arith.constant 0 : i32
      %dma_start3A_50 = tpu.memref_slice %arg16[%dma_start3A_49] : memref<8192xi32, #tpu.memory_space<vmem>> -> memref<7577xi32, #tpu.memory_space<vmem>>
      tpu.enqueue_dma source(%dma_start3A_50 : memref<7577xi32, #tpu.memory_space<vmem>>) target(%dma_start3A_48 : memref<7577xi32, #tpu.memory_space<hbm>>) target_semaphore(%arg19 : memref<!tpu.dma_semaphore, #tpu.memory_space<semaphore_mem>>)
      %dma_start3A_51 = arith.constant 0 : i32
      %dma_start3A_52 = tpu.memref_slice %arg14[%dma_start3A_51] : memref<8192xf32, #tpu.memory_space<vmem>> -> memref<7577xf32, #tpu.memory_space<vmem>>
      %dma_start3A_53 = arith.constant 5111808 : i32
      %dma_start3A_54 = tpu.memref_slice %arg9[%dma_start3A_53] : memref<5119385xf32, #tpu.memory_space<hbm>> -> memref<7577xf32, #tpu.memory_space<hbm>>
      %dma_start3A_55 = arith.constant 5111808 : i32
      %dma_start3A_56 = tpu.memref_slice %arg9[%dma_start3A_55] : memref<5119385xf32, #tpu.memory_space<hbm>> -> memref<7577xf32, #tpu.memory_space<hbm>>
      %dma_start3A_57 = arith.constant 0 : i32
      %dma_start3A_58 = tpu.memref_slice %arg14[%dma_start3A_57] : memref<8192xf32, #tpu.memory_space<vmem>> -> memref<7577xf32, #tpu.memory_space<vmem>>
      tpu.enqueue_dma source(%dma_start3A_58 : memref<7577xf32, #tpu.memory_space<vmem>>) target(%dma_start3A_56 : memref<7577xf32, #tpu.memory_space<hbm>>) target_semaphore(%arg19 : memref<!tpu.dma_semaphore, #tpu.memory_space<semaphore_mem>>)
      %dma_wait3A = arith.constant 0 : i32
      %dma_wait3A_59 = tpu.memref_slice %arg15[%dma_wait3A] : memref<8192xi32, #tpu.memory_space<vmem>> -> memref<7577xi32, #tpu.memory_space<vmem>>
      %dma_wait3A_60 = arith.constant 5111808 : i32
      %dma_wait3A_61 = tpu.memref_slice %arg7[%dma_wait3A_60] : memref<5119385xi32, #tpu.memory_space<hbm>> -> memref<7577xi32, #tpu.memory_space<hbm>>
      %dma_wait3A_62 = arith.constant 5111808 : i32
      %dma_wait3A_63 = tpu.memref_slice %arg7[%dma_wait3A_62] : memref<5119385xi32, #tpu.memory_space<hbm>> -> memref<7577xi32, #tpu.memory_space<hbm>>
      %dma_wait3A_64 = arith.constant 0 : i32
      %dma_wait3A_65 = tpu.memref_slice %arg15[%dma_wait3A_64] : memref<8192xi32, #tpu.memory_space<vmem>> -> memref<7577xi32, #tpu.memory_space<vmem>>
      tpu.wait_dma2 semaphore(%arg19 : memref<!tpu.dma_semaphore, #tpu.memory_space<semaphore_mem>>) src(%dma_wait3A_65 : memref<7577xi32, #tpu.memory_space<vmem>>) dst(%dma_wait3A_63 : memref<7577xi32, #tpu.memory_space<hbm>>)
      %dma_wait3A_66 = arith.constant 0 : i32
      %dma_wait3A_67 = tpu.memref_slice %arg16[%dma_wait3A_66] : memref<8192xi32, #tpu.memory_space<vmem>> -> memref<7577xi32, #tpu.memory_space<vmem>>
      %dma_wait3A_68 = arith.constant 5111808 : i32
      %dma_wait3A_69 = tpu.memref_slice %arg8[%dma_wait3A_68] : memref<5119385xi32, #tpu.memory_space<hbm>> -> memref<7577xi32, #tpu.memory_space<hbm>>
      %dma_wait3A_70 = arith.constant 5111808 : i32
      %dma_wait3A_71 = tpu.memref_slice %arg8[%dma_wait3A_70] : memref<5119385xi32, #tpu.memory_space<hbm>> -> memref<7577xi32, #tpu.memory_space<hbm>>
      %dma_wait3A_72 = arith.constant 0 : i32
      %dma_wait3A_73 = tpu.memref_slice %arg16[%dma_wait3A_72] : memref<8192xi32, #tpu.memory_space<vmem>> -> memref<7577xi32, #tpu.memory_space<vmem>>
      tpu.wait_dma2 semaphore(%arg19 : memref<!tpu.dma_semaphore, #tpu.memory_space<semaphore_mem>>) src(%dma_wait3A_73 : memref<7577xi32, #tpu.memory_space<vmem>>) dst(%dma_wait3A_71 : memref<7577xi32, #tpu.memory_space<hbm>>)
      %dma_wait3A_74 = arith.constant 0 : i32
      %dma_wait3A_75 = tpu.memref_slice %arg14[%dma_wait3A_74] : memref<8192xf32, #tpu.memory_space<vmem>> -> memref<7577xf32, #tpu.memory_space<vmem>>
      %dma_wait3A_76 = arith.constant 5111808 : i32
      %dma_wait3A_77 = tpu.memref_slice %arg9[%dma_wait3A_76] : memref<5119385xf32, #tpu.memory_space<hbm>> -> memref<7577xf32, #tpu.memory_space<hbm>>
      %dma_wait3A_78 = arith.constant 5111808 : i32
      %dma_wait3A_79 = tpu.memref_slice %arg9[%dma_wait3A_78] : memref<5119385xf32, #tpu.memory_space<hbm>> -> memref<7577xf32, #tpu.memory_space<hbm>>
      %dma_wait3A_80 = arith.constant 0 : i32
      %dma_wait3A_81 = tpu.memref_slice %arg14[%dma_wait3A_80] : memref<8192xf32, #tpu.memory_space<vmem>> -> memref<7577xf32, #tpu.memory_space<vmem>>
      tpu.wait_dma2 semaphore(%arg19 : memref<!tpu.dma_semaphore, #tpu.memory_space<semaphore_mem>>) src(%dma_wait3A_81 : memref<7577xf32, #tpu.memory_space<vmem>>) dst(%dma_wait3A_79 : memref<7577xf32, #tpu.memory_space<hbm>>)
    } else {
    }
    return
  }
}

</mosaic_0001>

<sc_bundles>
// kernel: kernel.3.cloned.1.call-start
scs
__scs_entry_jumppad:
0x0: {  	(pc) =	sbr.rel $0x88, $3  }
0x1: {  	(tag) =	ssettag $0x0;
	lr =	simm.s32 $0x1  }
0x2: {  	[smem:$0x3F9D] =	sst lr;
	_ =	strace $0xD0000000  }
0x3: {  	_ = 	snop  }
0x4: {  	_ = 	snop  }
0x5: {  	_ = 	snop  }
0x6: {  	_ = 	snop  }
0x7: {  	_ = 	snop  }
__scs_overlays_trampoline_lowered:
0x8: {  	[smem:$0x3FAC] =	sst s0  }
0x9: {  	[smem:$0x3FAD] =	sst s1  }
0xa: {  	[smem:$0x3FAE] =	sst s2  }
0xb: {  	[smem:$0x3FAF] =	sst s3  }
0xc: {  	[smem:$0x3FB0] =	sst s4  }
0xd: {  	[smem:$0x3FB1] =	sst s5  }
0xe: {  	[smem:$0x3FB2] =	sst s6  }
0xf: {  	[smem:$0x3FB3] =	sst s7  }
0x10: {  	[smem:$0x3FB4] =	sst s8  }
0x11: {  	[smem:$0x3FB5] =	sst s9;
	s0 =	simm.s32 @!p0 $0x0  }
0x12: {  	s1 =	sld [smem:$0x3F9B];
	s0 =	simm.s32 @p0 $0x1  }
0x13: {  	[smem:$0x3FB6] =	sst s0;
	s0 =	simm.s32 @!p1 $0x0  }
0x14: {  	s2 =	sld [smem:$0x3F9A];
	s0 =	simm.s32 @p1 $0x1  }
0x15: {  	[smem:$0x3FB7] =	sst s0;
	s0 =	simm.s32 @!p2 $0x0  }
0x16: {  	s3 =	sld [smem:$0x3FDB];
	s0 =	simm.s32 @p2 $0x1  }
0x17: {  	s4 =	simm.s32 $0x1BF5;
	[smem:$0x3FB9] =	sst s0  }
0x18: {  	s0 =	sld [smem:$0x3F9C];
	_ =	swait.ge [sflag:s4], $0x0  }
0x19: {  	s7 =	sld [smem:$0x3F9D]  }
0x1a: {  	s8 =	sadd.s32 $0xFFFFE003, lr  }
0x1b: {  	s9 =	sadd.s32 $0xFFFFFEF7, lr;
	s5 =	simm.s32 $0xFFFFFFFF;
	p2 =	slt.u32 s8, $0xFFFFF086  }
0x1c: {  	p1 =	slt.u32 s9, $0xF7A;
	s5 =	simm.s32 @!p2 $0x0  }
0x1d: {  	s5 =	simm.s32 @p1 $0x1;
	p0 =	seq.s32 s7, s2  }
0x1e: {  	s7 =	smul.u32 @!p0 $0xF7A, s2;
	p2 =	seq.s32 @!p0 s5, $0x0  }
0x1f: {  	s9 =	smul.u32 $0xF7A, s1;
	s8 =	simm.s32 @!p0 $0x1BF5;
	p2 =	por !p2, p0  }
0x20: {  	[sflag:s8] =	ssyncset.s32 @!p0 $0xFFFFF086;
	s6 =	sadd.s32 @!p0 s3, s7;
	s7 =	simm.s32 @!p0 $0x108  }
0x21: {  	s3 =	sadd.s32 s3, s9;
	s6 =	sadd.s32 @!p0 $0x88, s6;
	s7 =	simm.s32 @p2 $0x1082  }
0x22: {  	[simem:s7], [sflag:s8] =	dma.local @!p0 [hbm:s6], $0xF7A  }
0x23: {  	s9 =	sor.u32 $0xD0000000, s2;
	s6 =	simm.s32 $0x108;
	_ =	swait.ge @!p0 [sflag:s8], $0x0  }
0x24: {  	s3 =	sadd.s32 $0x88, s3;
	s6 =	simm.s32 @!p1 $0x1082;
	[sflag:s4] =	ssyncset.s32 $0xFFFFF086  }
0x25: {  	[simem:s6], [sflag:s4] =	dma.local [hbm:s3], $0xF7A  }
0x26: {  	[smem:$0x3F9D] =	sst s1;
	(tag) =	ssettag s2;
	_ =	strace s9  }
0x27: {  	s1 =	sld [smem:$0x3FAD]  }
0x28: {  	s2 =	sld [smem:$0x3FAE]  }
0x29: {  	s4 =	sld [smem:$0x3FB0]  }
0x2a: {  	p0 =	seq.s32 s5, $0x0;
	s5 =	sld [smem:$0x3FB1]  }
0x2b: {  	s6 =	sld [smem:$0x3FB2]  }
0x2c: {  	s7 =	sld [smem:$0x3FB3]  }
0x2d: {  	s3 =	simm.s32 $0x108;
	s8 =	sld [smem:$0x3FB4]  }
0x2e: {  	s3 =	simm.s32 @!p0 $0x1082;
	s9 =	sld [smem:$0x3FB5]  }
0x2f: {  	lr =	sadd.s32 s0, s3;
	s0 =	sld [smem:$0x3FAC]  }
0x30: {  	s3 =	sld [smem:$0x3FAF]  }
0x31: {  	[smem:$0x3FB8] =	sst s10  }
0x32: {  	s10 =	sld [smem:$0x3FB6];
	_ =	sdelay $0x3  }
0x33: {  	p0 =	seq.s32 s10, $0x1;
	s10 =	sld [smem:$0x3FB8];
	_ =	sdelay $0x3  }
0x34: {  	[smem:$0x3FB8] =	sst s10  }
0x35: {  	s10 =	sld [smem:$0x3FB7];
	_ =	sdelay $0x3  }
0x36: {  	p1 =	seq.s32 s10, $0x1;
	s10 =	sld [smem:$0x3FB8];
	_ =	sdelay $0x3  }
0x37: {  	[smem:$0x3FB8] =	sst s10  }
0x38: {  	s10 =	sld [smem:$0x3FB9]  }
0x39: {  	_ = 	snop;
	(pc) =	sbr.ind lr, $3  }
0x3a: {  	_ = 	snop  }
0x3b: {  	_ = 	snop  }
0x3c: {  	p2 =	seq.s32 s10, $0x1;
	s10 =	sld [smem:$0x3FB8]  }
0x3d: {  	_ =	shalt  }
0x3e: {  	_ =	shalt  }
0x3f: {  	_ =	shalt  }
0x40: {  	_ =	shalt  }
0x41: {  	_ =	shalt  }
0x42: {  	_ =	shalt  }
0x43: {  	_ =	shalt  }
0x44: {  	_ =	shalt  }
0x45: {  	_ =	shalt  }
0x46: {  	_ =	shalt  }
0x47: {  	_ =	shalt  }
0x48: {  	_ =	shalt  }
0x49: {  	_ =	shalt  }
0x4a: {  	_ =	shalt  }
0x4b: {  	_ =	shalt  }
0x4c: {  	_ =	shalt  }
0x4d: {  	_ =	shalt  }
0x4e: {  	_ =	shalt  }
0x4f: {  	_ =	shalt  }
0x50: {  	_ =	shalt  }
0x51: {  	_ =	shalt  }
0x52: {  	_ =	shalt  }
0x53: {  	_ =	shalt  }
0x54: {  	_ =	shalt  }
0x55: {  	_ =	shalt  }
0x56: {  	_ =	shalt  }
0x57: {  	_ =	shalt  }
0x58: {  	_ =	shalt  }
0x59: {  	_ =	shalt  }
0x5a: {  	_ =	shalt  }
0x5b: {  	_ =	shalt  }
0x5c: {  	_ =	shalt  }
0x5d: {  	_ =	shalt  }
0x5e: {  	_ =	shalt  }
0x5f: {  	_ =	shalt  }
0x60: {  	_ =	shalt  }
0x61: {  	_ =	shalt  }
0x62: {  	_ =	shalt  }
0x63: {  	_ =	shalt  }
0x64: {  	_ =	shalt  }
0x65: {  	_ =	shalt  }
0x66: {  	_ =	shalt  }
0x67: {  	_ =	shalt  }
0x68: {  	_ =	shalt  }
0x69: {  	_ =	shalt  }
0x6a: {  	_ =	shalt  }
0x6b: {  	_ =	shalt  }
0x6c: {  	_ =	shalt  }
0x6d: {  	_ =	shalt  }
0x6e: {  	_ =	shalt  }
0x6f: {  	_ =	shalt  }
0x70: {  	_ =	shalt  }
0x71: {  	_ =	shalt  }
0x72: {  	_ =	shalt  }
0x73: {  	_ =	shalt  }
0x74: {  	_ =	shalt  }
0x75: {  	_ =	shalt  }
0x76: {  	_ =	shalt  }
0x77: {  	_ =	shalt  }
0x78: {  	_ =	shalt  }
0x79: {  	_ =	shalt  }
0x7a: {  	_ =	shalt  }
0x7b: {  	_ =	shalt  }
0x7c: {  	_ =	shalt  }
0x7d: {  	_ =	shalt  }
0x7e: {  	_ =	shalt  }
0x7f: {  	_ =	shalt  }
0x80: {  	_ =	shalt  }
0x81: {  	_ =	shalt  }
0x82: {  	_ =	shalt  }
0x83: {  	_ =	shalt  }
0x84: {  	_ =	shalt  }
0x85: {  	_ =	shalt  }
0x86: {  	_ =	shalt  }
0x87: {  	_ =	shalt  }
.Lfunc_end0:
.L_simem_size_0:
called_computation_lowered:
.L_overlay_start_0:
0x88: {  	s2 =	sld [smem:$0x3FD9]  }
0x89: {  	s3 =	sld [smem:$0x3FFE];
	_ =	sdelay $0x1  }
0x8a: {  	s1 =	srdreg.scid  }
0x8b: {  	s0 =	sand.u32 $0x1, s1  }
0x8c: {  	s14 =	sshll.u32 s0, $0xA;
	s2 =	sadd.s32 s3, s2  }
0x8d: {  	s2 =	sadd.s32 s2, s14  }
0x8e: {  	[smem:$0x3FC4] =	sst s2  }
0x8f: {  	_ = 	snop  }
0x90: {  	s2 =	sld [smem:$0x3FD0];
	_ =	sdelay $0x1  }
0x91: {  	s15 =	sld [smem:$0x3FC9]  }
0x92: {  	s5 =	simm.s32 $0xA;
	s6 =	simm.s32 $0x10;
	s4 =	sld [smem:$0x3FC7]  }
0x93: {  	[smem:s6], [sflag:s5] =	dma.local [hbm:s2], $0x1  }
0x94: {  	_ =	swait.eq [sflag:s5], $0x1  }
0x95: {  	[sflag:s5] =	ssyncset.done $0x0  }
0x96: {  	s16 =	sld [smem:$0x10];
	[sflag:s5] =	ssyncadd.s32 $0xFFFFFFFF  }
0x97: {  	s17 =	sld [smem:$0x11];
	(tm) =	ssettm $0x1  }
0x98: {  	s18 =	sld [smem:$0x3FFB];
	_ =	sdelay $0x3  }
0x99: {  	_ =	strace s18  }
0x9a: {  	s6 =	sld [smem:$0x3FFC];
	_ =	sdelay $0x3  }
0x9b: {  	_ =	strace s6  }
0x9c: {  	s6 =	sld [smem:$0x3FFD];
	_ =	sdelay $0x3  }
0x9d: {  	_ =	strace s6  }
0x9e: {  	_ =	strace $0x8FFFFFFF  }
0x9f: {  	s19 =	sld [smem:$0x3FDB];
	_ =	sdelay $0x1  }
0xa0: {  	s7 =	simm.s32 $_scs_section_size  }
0xa1: {  	s8 =	simm.s32 $_size__tile_overlayer_lowered;
	s9 =	simm.s32 $_tile_overlayer_lowered  }
0xa2: {  	s22 =	simm.s32 $0x1BFF;
	s21 =	sshll.u32 s9, $0x1;
	s6 =	sadd.s32 s7, s19  }
0xa3: {  	s10 =	simm.s32 $0x0;
	s20 =	sshll.u32 s8, $0x1;
	s8 =	sadd.s32 s21, s6  }
0xa4: {  	[timem:s10], [sflag:s22] =	dma.local [hbm:s8], s20  }
0xa5: {  	_ =	swait.ge [sflag:s22], s20  }
0xa6: {  	s7 =	ssub.s32 $0x0, s20;
	[sflag:s22] =	ssyncset.done $0x0  }
0xa7: {  	[sflag:s22] =	ssyncadd.s32 s7;
	_ =	sdelay $0x1  }
0xa8: {  	s23 =	simm.s32 $0x1B8B  }
0xa9: {  	_ =	swait.ge [sflag:s23], $0x1  }
0xaa: {  	[sflag:s23] =	ssyncset.done $0x0  }
0xab: {  	s25 =	simm.s32 $0x1B8E;
	s24 =	sld [smem:$0x3FFE];
	[sflag:s23] =	ssyncadd.s32 $0xFFFFFFFF  }
0xac: {  	s26 =	simm.s32 $execute0_lowered;
	[smem:$0x3FD2] =	sst s25  }
0xad: {  	s8 =	sshll.u32 s26, $0x1;
	_ =	strace $0x80000046;
	[dreg:$0x1] =	wrdreg $0xFFFFFFFF  }
0xae: {  	s28 =	simm.s32 $_size_execute0_lowered;
	s6 =	sadd.s32 s6, s8;
	[dreg:$0x0] =	wrdreg $0x0  }
0xaf: {  	s8 =	sshll.u32 s28, $0x1;
	[dreg:$0x2] =	wrdreg s6  }
0xb0: {  	[dreg:$0x3] =	wrdreg s8  }
0xb1: {  	[dreg:$0x4] =	wrdreg $0xC0  }
0xb2: {  	_ =	task [dreg:s10], $0x5FFFF  }
0xb3: {  	[dreg:$0x1] =	wrdreg $0xFFFFFFFF  }
0xb4: {  	[dreg:$0x0] =	wrdreg $0x60  }
0xb5: {  	[dreg:$0x2] =	wrdreg s15  }
0xb6: {  	[dreg:$0x3] =	wrdreg s24  }
0xb7: {  	[dreg:$0x4] =	wrdreg s16  }
0xb8: {  	[dreg:$0x5] =	wrdreg s4  }
0xb9: {  	[dreg:$0x6] =	wrdreg s17  }
0xba: {  	[dreg:$0x7] =	wrdreg $0x9  }
0xbb: {  	_ =	task.clear_ibuf [dreg:s10], $0x8FFFF;
	_ =	strace $0x90000046  }
0xbc: {  	s29 =	simm.s32 $0x9;
	_ =	strace $0x80000048  }
0xbd: {  	_ =	swait.ge [sflag:s29], $0x1  }
0xbe: {  	[sflag:s29] =	ssyncadd.s32 $0xFFFFFFFF  }
0xbf: {  	_ =	strace $0x90000048  }
0xc0: {  	_ =	sfence  }
0xc1: {  	s30 =	sld [smem:$0x0];
	_ =	sdelay $0x2  }
0xc2: {  	s31 =	sshll.u32 s1, $0xD;
	s1 =	sshrl.u32 s1, $0x2  }
0xc3: {  	s3 =	sand.u32 $0x4000, s31;
	s1 =	sadd.s32 s1, s30  }
0xc4: {  	s0 =	sor.u32 s3, s0;
	s1 =	sshll.u32 s1, $0x11  }
0xc5: {  	s0 =	sor.u32 s1, s0  }
0xc6: {  	s0 =	sadd.s32 $0x8F2B, s0  }
0xc7: {  	[sflag:s0] =	ssyncadd.remote.s32 $0x1  }
0xc8: {  	_ =	sfence.sel $0xFFFF  }
0xc9: {  	[dreg:$0x0] =	wrdreg $0xFFFFFFFF;
	(pc) =	sbr.abs _section_cstart, $3  }
0xca: {  	[dreg:$0x1] =	wrdreg $0xFFFFFFFF  }
0xcb: {  	_ =	task.clear_ibuf [dreg:s10], $0x2FFFF;
	_ =	strace $0x9FFFFFFF  }
0xcc: {  	(tm) =	ssettm $0x7FFFFFFF  }
0xcd: {  	_ =	shalt  }
tec
execute0_lowered:
.L_overlay_start_1:
0x0: {  	(tag) =	ssettag $0x1  }
0x1: {  	s1 =	rddreg [dreg:$0x0]  }
0x2: {  	s0 =	rddreg [dreg:$0x1]  }
0x3: {  	s2 =	rddreg [dreg:$0x2]  }
0x4: {  	s3 =	rddreg [dreg:$0x3]  }
0x5: {  	s4 =	rddreg [dreg:$0x4];
	s5 =	simm.s32 $0x0  }
0x6: {  	s6 =	srdreg.scid;
	s14 =	stileid.u32;
	s19 =	simm.s32 $0x3  }
0x7: {  	s20 =	simm.s32 $0x2000;
	s21 =	simm.s32 $0x5000;
	s22 =	simm.s32 $0x8000  }
0x8: {  	s23 =	simm.s32 $0x1;
	s24 =	simm.s32 $0xD000;
	s25 =	simm.s32 $0xF000  }
0x9: {  	s26 =	simm.s32 $0xB000;
	s28 =	simm.s32 $0x2;
	s30 =	simm.s32 $0x0  }
0xa: {  	[smem:$0x7FF] =	sst s5;
	s7 =	sadd.s32 $0xE00, s0;
	s8 =	sadd.s32 $0xC4400, s0  }
0xb: {  	s6 =	sand.u32 $0x1, s6;
	s9 =	sadd.s32 $0xC4600, s0;
	s10 =	sadd.s32 $0x160A00, s0  }
0xc: {  	s13 =	sshll.u32 s14, $0x1;
	p0 =	slt.u32 s14, $0x8;
	s14 =	sadd.s32 $0x160600, s0  }
.Ltmp0:
0xd: {  	s31 =	sadd.s32 $0x9C000, s3;
	s15 =	sadd.s32 $0x1FCA00, s0;
	(pc) =	sbr.rel .LBB2_1-.Ltmp0, $4  }
0xe: {  	s16 =	sadd.s32 $0x9C000, s4;
	_ =	strace $0x80000047;
	s11 =	ssub.s32 $0x2, s6  }
0xf: {  	s6 =	sor.u32 s6, s13;
	[dreg:$0x6] =	wrdreg s31;
	s12 =	sshrl.u32 s11, $0x1  }
0x10: {  	s17 =	ssub.s32 s11, s12;
	s11 =	simm.s32 $0x14;
	s12 =	sshll.u32 s6, $0xD  }
0x11: {  	s11 =	simm.s32 @!p0 $0x13;
	s17 =	smax.u32 s17, $0x1;
	p0 =	sne.s32 s6, $0x1F  }
.LBB2_18:
0x12: {  	[hbm4b:s14+s5] =	stream.linear.scatter [tilespmem:s24], [sflag:$0x2], $0x1D99, $0x38;
	[tilespmem:$0x11080] =	vst v63  }
0x13: {  	_ = 	snop  }
0x14: {  	[hbm4b:s15+s5] =	stream.linear.scatter [tilespmem:s25], [sflag:$0x2], $0x1D99, $0x38;
	[tilespmem:$0x11080] =	vst v63  }
0x15: {  	_ = 	snop  }
0x16: {  	[hbm4b:s16+s5] =	stream.linear.scatter [tilespmem:s26], [sflag:$0x2], $0x1D99, $0x38;
	[tilespmem:$0x11080] =	vst v63  }
0x17: {  	_ =	swait.ge [sflag:s28], $0x1D99  }
0x18: {  	[sflag:s28] =	ssyncset.done $0x0  }
0x19: {  	[sflag:s28] =	ssyncadd.s32 $0xFFFFE267  }
0x1a: {  	_ =	swait.ge [sflag:s28], $0x1D99  }
0x1b: {  	[sflag:s28] =	ssyncset.done $0x0  }
0x1c: {  	[sflag:s28] =	ssyncadd.s32 $0xFFFFE267  }
0x1d: {  	_ =	swait.ge [sflag:s28], $0x1D99  }
0x1e: {  	[sflag:s28] =	ssyncset.done $0x0  }
0x1f: {  	[sflag:s28] =	ssyncadd.s32 $0xFFFFE267  }
.LBB2_19:
0x20: {  	s30 =	sadd.s32 $0x1, s30  }
0x21: {  	p1 =	sne.s32 s30, s17  }
.Ltmp1:
0x22: {  	_ = 	snop;
	(pc) =	sbr.rel @!p1 .LBB2_20-.Ltmp1, $1  }
0x23: {  	_ =	sdelay $0x3  }
.LBB2_1:
0x24: {  	s0 =	simm.s32 $0x11000  }
0x25: {  	[tilespmem:s0], [sflag:$0x3] =	stream.linear.gather [hbm4b:s8+s5], $0x80, $0x38;
	[tilespmem:$0x11080] =	vst v63  }
0x26: {  	_ =	swait.ge [sflag:s19], $0x80  }
0x27: {  	[sflag:s19] =	ssyncset.done $0x0  }
0x28: {  	[sflag:s19] =	ssyncadd.s32 $0xFFFFFF80  }
.Ltmp2:
0x29: {  	v0 =	vld [tilespmem:$0x11000];
	(pc) =	sbr.rel .LBB2_2-.Ltmp2, $2  }
0x2a: {  	_ =	sdelay $0x2  }
0x2b: {  	s31 =	simm.s32 $0x0  }
.LBB2_8:
0x2c: {  	[tilespmem:s6+$0xB000] =	vst v7;
	v5 =	vmul.f32 v5, v0;
	v63 =	vld [tilespmem:s6+$0xB070]  }
0x2d: {  	[tilespmem:s6+$0xB010] =	vst v6;
	v3 =	vmul.f32 v3, v0  }
0x2e: {  	v1 =	vmul.f32 v1, v0;
	[tilespmem:s6+$0xB020] =	vst v5  }
0x2f: {  	v2 =	vmul.f32 v2, v0;
	[tilespmem:s6+$0xB030] =	vst v3  }
0x30: {  	[tilespmem:s6+$0xB040] =	vst v1;
	v1 =	vmul.f32 v4, v0  }
0x31: {  	[tilespmem:s6+$0xB050] =	vst v2;
	v2 =	vmul.f32 v63, v0  }
0x32: {  	[tilespmem:s6+$0xB060] =	vst v1  }
0x33: {  	[tilespmem:s6+$0xB070] =	vst v2  }
.LBB2_9:
0x34: {  	s6 =	sadd.s32 s9, s0  }
0x35: {  	[hbm4b:s6+s5] =	stream.linear.scatter [tilespmem:s24], [sflag:$0x2], $0x2000, $0x38;
	[tilespmem:$0x11080] =	vst v63  }
0x36: {  	s18 =	sadd.s32 s10, s0  }
0x37: {  	[hbm4b:s18+s5] =	stream.linear.scatter [tilespmem:s25], [sflag:$0x2], $0x2000, $0x38;
	[tilespmem:$0x11080] =	vst v63  }
0x38: {  	s29 =	sadd.s32 s4, s0  }
0x39: {  	[hbm4b:s29+s5] =	stream.linear.scatter [tilespmem:s26], [sflag:$0x2], $0x2000, $0x38;
	[tilespmem:$0x11080] =	vst v63  }
0x3a: {  	_ =	swait.ge [sflag:s28], $0x2000  }
0x3b: {  	[sflag:s28] =	ssyncset.done $0x0  }
0x3c: {  	s31 =	sadd.s32 $0x1, s31;
	[sflag:s28] =	ssyncadd.s32 $0xFFFFE000  }
0x3d: {  	p1 =	sne.s32 s31, s11;
	_ =	swait.ge [sflag:s28], $0x2000  }
.Ltmp3:
0x3e: {  	[sflag:s28] =	ssyncset.done $0x0;
	(pc) =	sbr.rel @!p1 .LBB2_10-.Ltmp3, $4  }
0x3f: {  	[sflag:s28] =	ssyncadd.s32 $0xFFFFE000  }
0x40: {  	_ =	swait.ge [sflag:s28], $0x2000  }
0x41: {  	[sflag:s28] =	ssyncset.done $0x0  }
0x42: {  	[sflag:s28] =	ssyncadd.s32 $0xFFFFE000  }
.LBB2_2:
0x43: {  	s0 =	sshll.u32 s31, $0x12  }
0x44: {  	s0 =	sor.u32 s12, s0  }
0x45: {  	s0 =	sshrl.u32 s0, $0x3  }
0x46: {  	s6 =	sadd.s32 s3, s0  }
0x47: {  	[tilespmem:s5], [sflag:$0x3] =	stream.linear.gather [hbm4b:s6+s5], $0x2000, $0x38;
	[tilespmem:$0x11080] =	vst v63  }
0x48: {  	_ =	swait.ge [sflag:s19], $0x2000  }
0x49: {  	[sflag:s19] =	ssyncset.done $0x0  }
0x4a: {  	[sflag:s19] =	ssyncadd.s32 $0xFFFFE000  }
0x4b: {  	v1 =	vld [tilespmem:$0x0];
	_ =	sdelay $0x3  }
0x4c: {  	v2 =	vld [tilespmem:$0x1FF0]  }
0x4d: {  	(v2sf) =	vpush v1, $0x0;
	_ =	sdelay $0x3  }
0x4e: {  	(v2sf) =	vpush v2, $0xF;
	_ =	sdelay $0xa  }
0x4f: {  	s29 =	spop (v2sf)  }
0x50: {  	s6 =	sshra.s32 s29, $0x3  }
0x51: {  	p1 =	slt.s32 s6, $0xC2F00  }
0x52: {  	s6 =	simm.s32 @!p1 $0xC2F00  }
0x53: {  	s29 =	spop (v2sf);
	s18 =	sshll.u32 s6, $0x3  }
0x54: {  	s29 =	ssub.s32 s29, s18  }
0x55: {  	p1 =	sgt.s32 s29, $0x2FFF  }
.Ltmp4:
0x56: {  	_ = 	snop;
	(pc) =	sbr.rel @p1 .LBB2_6-.Ltmp4, $1  }
0x57: {  	_ =	sdelay $0x3  }
0x58: {  	s6 =	sand.u32 $0x1FFFFFFF, s6  }
0x59: {  	s13 =	simm.s32 $0x0;
	s29 =	sadd.s32 s1, s6  }
0x5a: {  	[tilespmem:s20], [sflag:$0x1] =	stream.linear.gather [hbm4b:s29+s13], $0x3000, $0x38;
	[tilespmem:$0x11080] =	vst v63  }
0x5b: {  	s29 =	sadd.s32 s7, s6  }
0x5c: {  	[tilespmem:s21], [sflag:$0x1] =	stream.linear.gather [hbm4b:s29+s13], $0x3000, $0x38;
	[tilespmem:$0x11080] =	vst v63  }
0x5d: {  	s6 =	sadd.s32 s2, s6  }
0x5e: {  	[tilespmem:s22], [sflag:$0x1] =	stream.linear.gather [hbm4b:s6+s13], $0x3000, $0x38;
	[tilespmem:$0x11080] =	vst v63  }
0x5f: {  	_ =	swait.ge [sflag:s23], $0x3000  }
0x60: {  	[sflag:s23] =	ssyncset.done $0x0  }
0x61: {  	[sflag:s23] =	ssyncadd.s32 $0xFFFFD000  }
0x62: {  	_ =	swait.ge [sflag:s23], $0x3000  }
0x63: {  	[sflag:s23] =	ssyncset.done $0x0  }
0x64: {  	[sflag:s23] =	ssyncadd.s32 $0xFFFFD000  }
0x65: {  	_ =	swait.ge [sflag:s23], $0x3000  }
0x66: {  	[sflag:s23] =	ssyncset.done $0x0  }
0x67: {  	s6 =	simm.s32 $0x0;
	[sflag:s23] =	ssyncadd.s32 $0xFFFFD000  }
0x68: {  	v2 =	vld [tilespmem:s6+$0x0];
	_ =	sdelay $0x3  }
0x69: {  	v1 =	vmov s18  }
0x6a: {  	v2 =	vsub.s32 v2, v1;
	_ =	sdelay $0x4  }
0x6b: {  	v3 =	vld.idx.msk [tilespmem:v2+s20+$0x0], $0xffff;
	_ =	sdelay $0x4  }
0x6c: {  	v3 =	vmul.f32 v3, v0;
	_ =	sdelay $0x1  }
0x6d: {  	[tilespmem:s6+$0xB000] =	vst v3  }
0x6e: {  	v3 =	vld.idx.msk [tilespmem:v2+s21+$0x0], $0xffff;
	_ =	sdelay $0x1  }
0x6f: {  	v4 =	vld [tilespmem:s6+$0x10];
	_ =	sdelay $0x2  }
0x70: {  	[tilespmem:s6+$0xD000] =	vst v3  }
0x71: {  	v2 =	vld.idx.msk [tilespmem:v2+s22+$0x0], $0xffff  }
0x72: {  	v3 =	vsub.s32 v4, v1;
	_ =	sdelay $0x3  }
0x73: {  	[tilespmem:s6+$0xF000] =	vst v2  }
0x74: {  	v2 =	vld.idx.msk [tilespmem:v3+s20+$0x0], $0xffff;
	_ =	sdelay $0x4  }
0x75: {  	v2 =	vmul.f32 v2, v0;
	_ =	sdelay $0x1  }
0x76: {  	[tilespmem:s6+$0xB010] =	vst v2  }
0x77: {  	v2 =	vld.idx.msk [tilespmem:v3+s21+$0x0], $0xffff;
	_ =	sdelay $0x1  }
0x78: {  	v4 =	vld [tilespmem:s6+$0x20];
	_ =	sdelay $0x2  }
0x79: {  	[tilespmem:s6+$0xD010] =	vst v2  }
0x7a: {  	v2 =	vld.idx.msk [tilespmem:v3+s22+$0x0], $0xffff  }
0x7b: {  	v3 =	vsub.s32 v4, v1;
	_ =	sdelay $0x3  }
0x7c: {  	[tilespmem:s6+$0xF010] =	vst v2  }
0x7d: {  	v2 =	vld.idx.msk [tilespmem:v3+s20+$0x0], $0xffff;
	_ =	sdelay $0x4  }
0x7e: {  	v2 =	vmul.f32 v2, v0;
	_ =	sdelay $0x1  }
0x7f: {  	[tilespmem:s6+$0xB020] =	vst v2  }
0x80: {  	v2 =	vld.idx.msk [tilespmem:v3+s21+$0x0], $0xffff;
	_ =	sdelay $0x1  }
0x81: {  	v4 =	vld [tilespmem:s6+$0x30];
	_ =	sdelay $0x2  }
0x82: {  	[tilespmem:s6+$0xD020] =	vst v2  }
0x83: {  	v2 =	vld.idx.msk [tilespmem:v3+s22+$0x0], $0xffff  }
0x84: {  	v3 =	vsub.s32 v4, v1;
	_ =	sdelay $0x3  }
0x85: {  	[tilespmem:s6+$0xF020] =	vst v2  }
0x86: {  	v2 =	vld.idx.msk [tilespmem:v3+s20+$0x0], $0xffff;
	_ =	sdelay $0x4  }
0x87: {  	v2 =	vmul.f32 v2, v0;
	_ =	sdelay $0x1  }
0x88: {  	[tilespmem:s6+$0xB030] =	vst v2  }
0x89: {  	v2 =	vld.idx.msk [tilespmem:v3+s21+$0x0], $0xffff;
	_ =	sdelay $0x1  }
0x8a: {  	v4 =	vld [tilespmem:s6+$0x40];
	_ =	sdelay $0x2  }
0x8b: {  	[tilespmem:s6+$0xD030] =	vst v2  }
0x8c: {  	v2 =	vld.idx.msk [tilespmem:v3+s22+$0x0], $0xffff  }
0x8d: {  	v3 =	vsub.s32 v4, v1;
	_ =	sdelay $0x3  }
0x8e: {  	[tilespmem:s6+$0xF030] =	vst v2  }
0x8f: {  	v2 =	vld.idx.msk [tilespmem:v3+s20+$0x0], $0xffff;
	_ =	sdelay $0x4  }
0x90: {  	v2 =	vmul.f32 v2, v0;
	_ =	sdelay $0x1  }
0x91: {  	[tilespmem:s6+$0xB040] =	vst v2  }
0x92: {  	v2 =	vld.idx.msk [tilespmem:v3+s21+$0x0], $0xffff;
	_ =	sdelay $0x1  }
0x93: {  	v4 =	vld [tilespmem:s6+$0x50];
	_ =	sdelay $0x2  }
0x94: {  	[tilespmem:s6+$0xD040] =	vst v2  }
0x95: {  	v2 =	vld.idx.msk [tilespmem:v3+s22+$0x0], $0xffff  }
0x96: {  	v3 =	vsub.s32 v4, v1;
	_ =	sdelay $0x3  }
0x97: {  	[tilespmem:s6+$0xF040] =	vst v2  }
0x98: {  	v2 =	vld.idx.msk [tilespmem:v3+s20+$0x0], $0xffff;
	_ =	sdelay $0x4  }
0x99: {  	v2 =	vmul.f32 v2, v0;
	_ =	sdelay $0x1  }
0x9a: {  	[tilespmem:s6+$0xB050] =	vst v2  }
0x9b: {  	v2 =	vld.idx.msk [tilespmem:v3+s21+$0x0], $0xffff;
	_ =	sdelay $0x1  }
0x9c: {  	v4 =	vld [tilespmem:s6+$0x60];
	_ =	sdelay $0x2  }
0x9d: {  	[tilespmem:s6+$0xD050] =	vst v2  }
0x9e: {  	v2 =	vld.idx.msk [tilespmem:v3+s22+$0x0], $0xffff  }
0x9f: {  	v3 =	vsub.s32 v4, v1;
	_ =	sdelay $0x3  }
0xa0: {  	[tilespmem:s6+$0xF050] =	vst v2  }
0xa1: {  	v2 =	vld.idx.msk [tilespmem:v3+s20+$0x0], $0xffff;
	_ =	sdelay $0x4  }
0xa2: {  	v2 =	vmul.f32 v2, v0;
	_ =	sdelay $0x1  }
0xa3: {  	[tilespmem:s6+$0xB060] =	vst v2  }
0xa4: {  	v2 =	vld.idx.msk [tilespmem:v3+s21+$0x0], $0xffff;
	_ =	sdelay $0x1  }
0xa5: {  	v4 =	vld [tilespmem:s6+$0x70];
	_ =	sdelay $0x2  }
0xa6: {  	[tilespmem:s6+$0xD060] =	vst v2  }
0xa7: {  	v3 =	vld.idx.msk [tilespmem:v3+s22+$0x0], $0xffff  }
0xa8: {  	v2 =	vsub.s32 v4, v1;
	_ =	sdelay $0x3  }
0xa9: {  	[tilespmem:s6+$0xF060] =	vst v3  }
0xaa: {  	v3 =	vld.idx.msk [tilespmem:v2+s20+$0x0], $0xffff;
	_ =	sdelay $0x4  }
0xab: {  	v3 =	vmul.f32 v3, v0;
	_ =	sdelay $0x1  }
0xac: {  	[tilespmem:s6+$0xB070] =	vst v3  }
0xad: {  	v3 =	vld.idx.msk [tilespmem:v2+s21+$0x0], $0xffff;
	_ =	sdelay $0x1  }
0xae: {  	s18 =	simm.s32 $0x80;
	s29 =	simm.s32 $0x400  }
.LBB2_4:
0xaf: {  	p1 =	seq.s32 s29, $0x7E00;
	v4 =	vld [tilespmem:s18+$0x0];
	_ =	sdelay $0x1  }
0xb0: {  	[tilespmem:s6+$0xD070] =	vst v3  }
0xb1: {  	v2 =	vld.idx.msk [tilespmem:v2+s22+$0x0], $0xffff;
	_ =	sdelay $0x1  }
0xb2: {  	v3 =	vsub.s32 v4, v1;
	_ =	sdelay $0x3  }
0xb3: {  	[tilespmem:s6+$0xF070] =	vst v2;
	s6 =	smov.u32 s18  }
0xb4: {  	v2 =	vld.idx.msk [tilespmem:v3+s20+$0x0], $0xffff;
	_ =	sdelay $0x5  }
0xb5: {  	v2 =	vmul.f32 v2, v0;
	_ =	sdelay $0x1  }
0xb6: {  	[tilespmem:s6+$0xB000] =	vst v2  }
0xb7: {  	v2 =	vld.idx.msk [tilespmem:v3+s21+$0x0], $0xffff;
	_ =	sdelay $0x3  }
0xb8: {  	v4 =	vld [tilespmem:s6+$0x10];
	_ =	sdelay $0x1  }
0xb9: {  	[tilespmem:s6+$0xD000] =	vst v2  }
0xba: {  	v2 =	vld.idx.msk [tilespmem:v3+s22+$0x0], $0xffff;
	_ =	sdelay $0x1  }
0xbb: {  	v3 =	vsub.s32 v4, v1;
	_ =	sdelay $0x3  }
0xbc: {  	[tilespmem:s6+$0xF000] =	vst v2  }
0xbd: {  	v2 =	vld.idx.msk [tilespmem:v3+s20+$0x0], $0xffff;
	_ =	sdelay $0x5  }
0xbe: {  	v2 =	vmul.f32 v2, v0;
	_ =	sdelay $0x1  }
0xbf: {  	[tilespmem:s6+$0xB010] =	vst v2  }
0xc0: {  	v2 =	vld.idx.msk [tilespmem:v3+s21+$0x0], $0xffff;
	_ =	sdelay $0x3  }
0xc1: {  	v4 =	vld [tilespmem:s6+$0x20];
	_ =	sdelay $0x1  }
0xc2: {  	[tilespmem:s6+$0xD010] =	vst v2  }
0xc3: {  	v2 =	vld.idx.msk [tilespmem:v3+s22+$0x0], $0xffff;
	_ =	sdelay $0x1  }
0xc4: {  	v3 =	vsub.s32 v4, v1;
	_ =	sdelay $0x3  }
0xc5: {  	[tilespmem:s6+$0xF010] =	vst v2  }
0xc6: {  	v2 =	vld.idx.msk [tilespmem:v3+s20+$0x0], $0xffff;
	_ =	sdelay $0x5  }
0xc7: {  	v2 =	vmul.f32 v2, v0;
	_ =	sdelay $0x1  }
0xc8: {  	[tilespmem:s6+$0xB020] =	vst v2  }
0xc9: {  	v2 =	vld.idx.msk [tilespmem:v3+s21+$0x0], $0xffff;
	_ =	sdelay $0x3  }
0xca: {  	v4 =	vld [tilespmem:s6+$0x30];
	_ =	sdelay $0x1  }
0xcb: {  	[tilespmem:s6+$0xD020] =	vst v2  }
0xcc: {  	v2 =	vld.idx.msk [tilespmem:v3+s22+$0x0], $0xffff;
	_ =	sdelay $0x1  }
0xcd: {  	v3 =	vsub.s32 v4, v1;
	_ =	sdelay $0x3  }
0xce: {  	[tilespmem:s6+$0xF020] =	vst v2  }
0xcf: {  	v2 =	vld.idx.msk [tilespmem:v3+s20+$0x0], $0xffff;
	_ =	sdelay $0x5  }
0xd0: {  	v2 =	vmul.f32 v2, v0;
	_ =	sdelay $0x1  }
0xd1: {  	[tilespmem:s6+$0xB030] =	vst v2  }
0xd2: {  	v2 =	vld.idx.msk [tilespmem:v3+s21+$0x0], $0xffff;
	_ =	sdelay $0x3  }
0xd3: {  	v4 =	vld [tilespmem:s6+$0x40];
	_ =	sdelay $0x1  }
0xd4: {  	[tilespmem:s6+$0xD030] =	vst v2  }
0xd5: {  	v2 =	vld.idx.msk [tilespmem:v3+s22+$0x0], $0xffff;
	_ =	sdelay $0x1  }
0xd6: {  	v3 =	vsub.s32 v4, v1;
	_ =	sdelay $0x3  }
0xd7: {  	[tilespmem:s6+$0xF030] =	vst v2  }
0xd8: {  	v2 =	vld.idx.msk [tilespmem:v3+s20+$0x0], $0xffff;
	_ =	sdelay $0x5  }
0xd9: {  	v2 =	vmul.f32 v2, v0;
	_ =	sdelay $0x1  }
0xda: {  	[tilespmem:s6+$0xB040] =	vst v2  }
0xdb: {  	v2 =	vld.idx.msk [tilespmem:v3+s21+$0x0], $0xffff;
	_ =	sdelay $0x3  }
0xdc: {  	v4 =	vld [tilespmem:s6+$0x50];
	_ =	sdelay $0x1  }
0xdd: {  	[tilespmem:s6+$0xD040] =	vst v2  }
0xde: {  	v2 =	vld.idx.msk [tilespmem:v3+s22+$0x0], $0xffff;
	_ =	sdelay $0x1  }
0xdf: {  	v3 =	vsub.s32 v4, v1;
	_ =	sdelay $0x3  }
0xe0: {  	[tilespmem:s6+$0xF040] =	vst v2  }
0xe1: {  	v2 =	vld.idx.msk [tilespmem:v3+s20+$0x0], $0xffff;
	_ =	sdelay $0x5  }
0xe2: {  	v2 =	vmul.f32 v2, v0;
	_ =	sdelay $0x1  }
0xe3: {  	[tilespmem:s6+$0xB050] =	vst v2  }
0xe4: {  	v2 =	vld.idx.msk [tilespmem:v3+s21+$0x0], $0xffff;
	_ =	sdelay $0x3  }
0xe5: {  	v4 =	vld [tilespmem:s6+$0x60];
	_ =	sdelay $0x1  }
0xe6: {  	[tilespmem:s6+$0xD050] =	vst v2  }
0xe7: {  	v2 =	vld.idx.msk [tilespmem:v3+s22+$0x0], $0xffff;
	_ =	sdelay $0x1  }
0xe8: {  	v3 =	vsub.s32 v4, v1;
	_ =	sdelay $0x3  }
0xe9: {  	[tilespmem:s6+$0xF050] =	vst v2  }
0xea: {  	v2 =	vld.idx.msk [tilespmem:v3+s20+$0x0], $0xffff;
	_ =	sdelay $0x5  }
0xeb: {  	v2 =	vmul.f32 v2, v0;
	_ =	sdelay $0x1  }
0xec: {  	[tilespmem:s6+$0xB060] =	vst v2  }
0xed: {  	v2 =	vld.idx.msk [tilespmem:v3+s21+$0x0], $0xffff;
	_ =	sdelay $0x3  }
0xee: {  	v4 =	vld [tilespmem:s6+$0x70];
	_ =	sdelay $0x1  }
0xef: {  	[tilespmem:s6+$0xD060] =	vst v2  }
0xf0: {  	v3 =	vld.idx.msk [tilespmem:v3+s22+$0x0], $0xffff;
	_ =	sdelay $0x1  }
0xf1: {  	v2 =	vsub.s32 v4, v1;
	_ =	sdelay $0x3  }
0xf2: {  	[tilespmem:s6+$0xF060] =	vst v3  }
0xf3: {  	v3 =	vld.idx.msk [tilespmem:v2+s20+$0x0], $0xffff;
	_ =	sdelay $0x5  }
0xf4: {  	v3 =	vmul.f32 v3, v0;
	_ =	sdelay $0x1  }
.Ltmp5:
0xf5: {  	[tilespmem:s6+$0xB070] =	vst v3;
	(pc) =	sbr.rel @!p1 .LBB2_4-.Ltmp5, $2  }
0xf6: {  	v3 =	vld.idx.msk [tilespmem:v2+s21+$0x0], $0xffff;
	_ =	sdelay $0x2  }
0xf7: {  	s18 =	sshra.s32 s29, $0x2;
	s29 =	sadd.s32 $0x200, s29  }
0xf8: {  	v4 =	vld [tilespmem:s18+$0x0];
	_ =	sdelay $0x2  }
0xf9: {  	[tilespmem:s6+$0xD070] =	vst v3  }
0xfa: {  	v2 =	vld.idx.msk [tilespmem:v2+s22+$0x0], $0xffff  }
0xfb: {  	v3 =	vsub.s32 v4, v1;
	_ =	sdelay $0x3  }
0xfc: {  	[tilespmem:s6+$0xF070] =	vst v2  }
0xfd: {  	v2 =	vld.idx.msk [tilespmem:v3+s20+$0x0], $0xffff;
	_ =	sdelay $0x4  }
0xfe: {  	v2 =	vmul.f32 v2, v0;
	_ =	sdelay $0x1  }
0xff: {  	[tilespmem:s18+$0xB000] =	vst v2  }
0x100: {  	v2 =	vld.idx.msk [tilespmem:v3+s21+$0x0], $0xffff;
	_ =	sdelay $0x1  }
0x101: {  	v57 =	vld [tilespmem:s18+$0x10];
	_ =	sdelay $0x2  }
0x102: {  	[tilespmem:s18+$0xD000] =	vst v2  }
0x103: {  	v2 =	vld.idx.msk [tilespmem:v3+s22+$0x0], $0xffff  }
0x104: {  	v3 =	vsub.s32 v57, v1;
	_ =	sdelay $0x3  }
0x105: {  	[tilespmem:s18+$0xF000] =	vst v2  }
0x106: {  	v2 =	vld.idx.msk [tilespmem:v3+s20+$0x0], $0xffff;
	_ =	sdelay $0x4  }
0x107: {  	v2 =	vmul.f32 v2, v0;
	_ =	sdelay $0x1  }
0x108: {  	[tilespmem:s18+$0xB010] =	vst v2  }
0x109: {  	v2 =	vld.idx.msk [tilespmem:v3+s21+$0x0], $0xffff;
	_ =	sdelay $0x1  }
0x10a: {  	v58 =	vld [tilespmem:s18+$0x20];
	_ =	sdelay $0x2  }
0x10b: {  	[tilespmem:s18+$0xD010] =	vst v2  }
0x10c: {  	v2 =	vld.idx.msk [tilespmem:v3+s22+$0x0], $0xffff  }
0x10d: {  	v3 =	vsub.s32 v58, v1;
	_ =	sdelay $0x3  }
0x10e: {  	[tilespmem:s18+$0xF010] =	vst v2  }
0x10f: {  	v2 =	vld.idx.msk [tilespmem:v3+s20+$0x0], $0xffff;
	_ =	sdelay $0x4  }
0x110: {  	v2 =	vmul.f32 v2, v0;
	_ =	sdelay $0x1  }
0x111: {  	[tilespmem:s18+$0xB020] =	vst v2  }
0x112: {  	v2 =	vld.idx.msk [tilespmem:v3+s21+$0x0], $0xffff;
	_ =	sdelay $0x1  }
0x113: {  	v59 =	vld [tilespmem:s18+$0x30];
	_ =	sdelay $0x2  }
0x114: {  	[tilespmem:s18+$0xD020] =	vst v2  }
0x115: {  	v2 =	vld.idx.msk [tilespmem:v3+s22+$0x0], $0xffff  }
0x116: {  	v3 =	vsub.s32 v59, v1;
	_ =	sdelay $0x3  }
0x117: {  	[tilespmem:s18+$0xF020] =	vst v2  }
0x118: {  	v2 =	vld.idx.msk [tilespmem:v3+s20+$0x0], $0xffff;
	_ =	sdelay $0x4  }
0x119: {  	v2 =	vmul.f32 v2, v0;
	_ =	sdelay $0x1  }
0x11a: {  	[tilespmem:s18+$0xB030] =	vst v2  }
0x11b: {  	v2 =	vld.idx.msk [tilespmem:v3+s21+$0x0], $0xffff;
	_ =	sdelay $0x1  }
0x11c: {  	v60 =	vld [tilespmem:s18+$0x40];
	_ =	sdelay $0x2  }
0x11d: {  	[tilespmem:s18+$0xD030] =	vst v2  }
0x11e: {  	v2 =	vld.idx.msk [tilespmem:v3+s22+$0x0], $0xffff  }
0x11f: {  	v3 =	vsub.s32 v60, v1;
	_ =	sdelay $0x3  }
0x120: {  	[tilespmem:s18+$0xF030] =	vst v2  }
0x121: {  	v2 =	vld.idx.msk [tilespmem:v3+s20+$0x0], $0xffff;
	_ =	sdelay $0x4  }
0x122: {  	v2 =	vmul.f32 v2, v0;
	_ =	sdelay $0x1  }
0x123: {  	[tilespmem:s18+$0xB040] =	vst v2  }
0x124: {  	v2 =	vld.idx.msk [tilespmem:v3+s21+$0x0], $0xffff;
	_ =	sdelay $0x1  }
0x125: {  	v61 =	vld [tilespmem:s18+$0x50];
	_ =	sdelay $0x2  }
0x126: {  	[tilespmem:s18+$0xD040] =	vst v2  }
0x127: {  	v2 =	vld.idx.msk [tilespmem:v3+s22+$0x0], $0xffff  }
0x128: {  	v3 =	vsub.s32 v61, v1;
	_ =	sdelay $0x3  }
0x129: {  	[tilespmem:s18+$0xF040] =	vst v2  }
0x12a: {  	v2 =	vld.idx.msk [tilespmem:v3+s20+$0x0], $0xffff;
	_ =	sdelay $0x4  }
0x12b: {  	v2 =	vmul.f32 v2, v0;
	_ =	sdelay $0x1  }
0x12c: {  	[tilespmem:s18+$0xB050] =	vst v2  }
0x12d: {  	v2 =	vld.idx.msk [tilespmem:v3+s21+$0x0], $0xffff;
	_ =	sdelay $0x1  }
0x12e: {  	v62 =	vld [tilespmem:s18+$0x60];
	_ =	sdelay $0x2  }
0x12f: {  	[tilespmem:s18+$0xD050] =	vst v2  }
0x130: {  	v2 =	vld.idx.msk [tilespmem:v3+s22+$0x0], $0xffff  }
0x131: {  	v3 =	vsub.s32 v62, v1;
	_ =	sdelay $0x3  }
0x132: {  	[tilespmem:s18+$0xF050] =	vst v2  }
0x133: {  	v2 =	vld.idx.msk [tilespmem:v3+s20+$0x0], $0xffff;
	_ =	sdelay $0x4  }
0x134: {  	v2 =	vmul.f32 v2, v0;
	_ =	sdelay $0x1  }
0x135: {  	[tilespmem:s18+$0xB060] =	vst v2  }
0x136: {  	v2 =	vld.idx.msk [tilespmem:v3+s21+$0x0], $0xffff;
	_ =	sdelay $0x1  }
0x137: {  	v63 =	vld [tilespmem:s18+$0x70];
	_ =	sdelay $0x2  }
0x138: {  	[tilespmem:s18+$0xD060] =	vst v2  }
0x139: {  	v2 =	vld.idx.msk [tilespmem:v3+s22+$0x0], $0xffff  }
0x13a: {  	v1 =	vsub.s32 v63, v1;
	_ =	sdelay $0x3  }
0x13b: {  	[tilespmem:s18+$0xF060] =	vst v2  }
0x13c: {  	v2 =	vld.idx.msk [tilespmem:v1+s20+$0x0], $0xffff;
	_ =	sdelay $0x4  }
0x13d: {  	v2 =	vmul.f32 v2, v0;
	_ =	sdelay $0x1  }
0x13e: {  	[tilespmem:s18+$0xB070] =	vst v2  }
0x13f: {  	v2 =	vld.idx.msk [tilespmem:v1+s21+$0x0], $0xffff;
	_ =	sdelay $0x4  }
0x140: {  	[tilespmem:s18+$0xD070] =	vst v2  }
0x141: {  	v1 =	vld.idx.msk [tilespmem:v1+s22+$0x0], $0xffff  }
.Ltmp6:
0x142: {  	_ = 	snop;
	(pc) =	sbr.rel .LBB2_9-.Ltmp6, $2  }
0x143: {  	_ =	sdelay $0x2  }
0x144: {  	[tilespmem:s18+$0xF070] =	vst v1  }
.LBB2_6:
0x145: {  	s6 =	simm.s32 $0x0  }
0x146: {  	[tilespmem:s26], [sflag:$0x1] =	stream.indirect.gather [hbm4b:s1+s20], $0x1, s6, s20, $0xb8;
	[tilespmem:$0x11080] =	vst v63  }
0x147: {  	_ = 	snop  }
0x148: {  	[tilespmem:s24], [sflag:$0x1] =	stream.indirect.gather [hbm4b:s7+s20], $0x1, s6, s20, $0xb8;
	[tilespmem:$0x11080] =	vst v63  }
0x149: {  	_ = 	snop  }
0x14a: {  	[tilespmem:s25], [sflag:$0x1] =	stream.indirect.gather [hbm4b:s2+s20], $0x1, s6, s20, $0xb8;
	[tilespmem:$0x11080] =	vst v63  }
0x14b: {  	_ =	swait.ge [sflag:s23], $0x2000  }
0x14c: {  	[sflag:s23] =	ssyncset.done $0x0  }
0x14d: {  	[sflag:s23] =	ssyncadd.s32 $0xFFFFE000  }
0x14e: {  	_ =	swait.ge [sflag:s23], $0x2000  }
0x14f: {  	[sflag:s23] =	ssyncset.done $0x0  }
0x150: {  	[sflag:s23] =	ssyncadd.s32 $0xFFFFE000  }
0x151: {  	_ =	swait.ge [sflag:s23], $0x2000  }
0x152: {  	[sflag:s23] =	ssyncset.done $0x0  }
0x153: {  	s6 =	simm.s32 $0x0;
	[sflag:s23] =	ssyncadd.s32 $0xFFFFE000  }
0x154: {  	v4 =	vld [tilespmem:s6+$0xB000]  }
0x155: {  	v6 =	vld [tilespmem:s6+$0xB010]  }
0x156: {  	v5 =	vld [tilespmem:s6+$0xB020]  }
0x157: {  	v3 =	vld [tilespmem:s6+$0xB030]  }
0x158: {  	v1 =	vld [tilespmem:s6+$0xB040]  }
0x159: {  	v2 =	vld [tilespmem:s6+$0xB050];
	v7 =	vmul.f32 v4, v0  }
0x15a: {  	s18 =	simm.s32 $0x200;
	v6 =	vmul.f32 v6, v0;
	v4 =	vld [tilespmem:s6+$0xB060]  }
.LBB2_7:
0x15b: {  	s13 =	sshra.s32 s18, $0x2;
	p1 =	sne.s32 s18, $0x7E00;
	[tilespmem:s6+$0xB000] =	vst v7;
	v5 =	vmul.f32 v5, v0;
	v7 =	vld [tilespmem:s6+$0xB070]  }
0x15c: {  	v3 =	vmul.f32 v3, v0;
	v8 =	vld [tilespmem:s13+$0xB000];
	[tilespmem:s6+$0xB010] =	vst v6  }
0x15d: {  	v1 =	vmul.f32 v1, v0;
	v6 =	vld [tilespmem:s13+$0xB010];
	[tilespmem:s6+$0xB020] =	vst v5  }
.Ltmp7:
0x15e: {  	v2 =	vmul.f32 v2, v0;
	v5 =	vld [tilespmem:s13+$0xB020];
	[tilespmem:s6+$0xB030] =	vst v3;
	(pc) =	sbr.rel @p1 .LBB2_7-.Ltmp7, $4  }
0x15f: {  	v4 =	vmul.f32 v4, v0;
	v3 =	vld [tilespmem:s13+$0xB030];
	[tilespmem:s6+$0xB040] =	vst v1  }
0x160: {  	v1 =	vld [tilespmem:s13+$0xB040];
	[tilespmem:s6+$0xB050] =	vst v2;
	v9 =	vmul.f32 v7, v0  }
0x161: {  	v7 =	vmul.f32 v8, v0;
	v2 =	vld [tilespmem:s13+$0xB050];
	[tilespmem:s6+$0xB060] =	vst v4  }
0x162: {  	s18 =	sadd.s32 $0x200, s18;
	v6 =	vmul.f32 v6, v0;
	v4 =	vld [tilespmem:s13+$0xB060];
	[tilespmem:s6+$0xB070] =	vst v9;
	s6 =	smov.u32 s13  }
.Ltmp8:
0x163: {  	_ = 	snop;
	(pc) =	sbr.rel .LBB2_8-.Ltmp8, $1  }
0x164: {  	_ =	sdelay $0x3  }
.LBB2_10:
.Ltmp9:
0x165: {  	(pc) =	sbr.rel @p0 .LBB2_19-.Ltmp9, $1  }
0x166: {  	_ =	sdelay $0x3  }
0x167: {  	s0 =	rddreg [dreg:$0x6]  }
0x168: {  	[tilespmem:s5], [sflag:$0x3] =	stream.linear.gather [hbm4b:s0+s5], $0x1D99, $0x38;
	[tilespmem:$0x11080] =	vst v63  }
0x169: {  	_ =	swait.ge [sflag:s19], $0x1D99  }
0x16a: {  	[sflag:s19] =	ssyncset.done $0x0  }
0x16b: {  	[sflag:s19] =	ssyncadd.s32 $0xFFFFE267  }
0x16c: {  	v1 =	vld [tilespmem:$0x0];
	_ =	sdelay $0x3  }
0x16d: {  	v2 =	vld [tilespmem:$0x1D89]  }
0x16e: {  	(v2sf) =	vpush v1, $0x0;
	_ =	sdelay $0x3  }
0x16f: {  	(v2sf) =	vpush v2, $0xF;
	_ =	sdelay $0xa  }
0x170: {  	s31 =	spop (v2sf)  }
0x171: {  	s0 =	sshra.s32 s31, $0x3  }
0x172: {  	p1 =	slt.s32 s0, $0xC2F00  }
0x173: {  	s0 =	simm.s32 @!p1 $0xC2F00  }
0x174: {  	s13 =	spop (v2sf);
	s6 =	sshll.u32 s0, $0x3  }
0x175: {  	s13 =	ssub.s32 s13, s6  }
0x176: {  	p1 =	sgt.s32 s13, $0x2FFF  }
.Ltmp10:
0x177: {  	_ = 	snop;
	(pc) =	sbr.rel @p1 .LBB2_15-.Ltmp10, $1  }
0x178: {  	_ =	sdelay $0x3  }
0x179: {  	s0 =	sand.u32 $0x1FFFFFFF, s0  }
0x17a: {  	s18 =	simm.s32 $0x0;
	s13 =	sadd.s32 s1, s0  }
0x17b: {  	[tilespmem:s20], [sflag:$0x1] =	stream.linear.gather [hbm4b:s13+s18], $0x3000, $0x38;
	[tilespmem:$0x11080] =	vst v63  }
0x17c: {  	s31 =	sadd.s32 s7, s0  }
0x17d: {  	[tilespmem:s21], [sflag:$0x1] =	stream.linear.gather [hbm4b:s31+s18], $0x3000, $0x38;
	[tilespmem:$0x11080] =	vst v63  }
0x17e: {  	s0 =	sadd.s32 s2, s0  }
0x17f: {  	[tilespmem:s22], [sflag:$0x1] =	stream.linear.gather [hbm4b:s0+s18], $0x3000, $0x38;
	[tilespmem:$0x11080] =	vst v63  }
0x180: {  	_ =	swait.ge [sflag:s23], $0x3000  }
0x181: {  	[sflag:s23] =	ssyncset.done $0x0  }
0x182: {  	[sflag:s23] =	ssyncadd.s32 $0xFFFFD000  }
0x183: {  	_ =	swait.ge [sflag:s23], $0x3000  }
0x184: {  	[sflag:s23] =	ssyncset.done $0x0  }
0x185: {  	[sflag:s23] =	ssyncadd.s32 $0xFFFFD000  }
0x186: {  	_ =	swait.ge [sflag:s23], $0x3000  }
0x187: {  	[sflag:s23] =	ssyncset.done $0x0  }
0x188: {  	s0 =	simm.s32 $0x0;
	[sflag:s23] =	ssyncadd.s32 $0xFFFFD000  }
0x189: {  	v2 =	vld [tilespmem:s0+$0x0];
	_ =	sdelay $0x3  }
0x18a: {  	v1 =	vmov s6  }
0x18b: {  	v2 =	vsub.s32 v2, v1  }
0x18c: {  	vm0 =	vgt.s32 v2, $0x0  }
0x18d: {  	v2 =	vnsel vm0, $0x0, v2  }
0x18e: {  	v2 =	vmin.u32 v2, $0x2FFF;
	_ =	sdelay $0x4  }
0x18f: {  	v3 =	vld.idx.msk [tilespmem:v2+s20+$0x0], $0xffff;
	_ =	sdelay $0x4  }
0x190: {  	v3 =	vmul.f32 v3, v0;
	_ =	sdelay $0x1  }
0x191: {  	[tilespmem:s0+$0xB000] =	vst v3;
	v3 =	vld [tilespmem:s0+$0x10]  }
0x192: {  	v4 =	vld.idx.msk [tilespmem:v2+s21+$0x0], $0xffff;
	_ =	sdelay $0x3  }
0x193: {  	v3 =	vsub.s32 v3, v1  }
0x194: {  	[tilespmem:s0+$0xD000] =	vst v4;
	vm9 =	vgt.s32 v3, $0x0  }
0x195: {  	v2 =	vld.idx.msk [tilespmem:v2+s22+$0x0], $0xffff;
	v3 =	vnsel vm9, $0x0, v3  }
0x196: {  	v3 =	vmin.u32 v3, $0x2FFF;
	_ =	sdelay $0x3  }
0x197: {  	[tilespmem:s0+$0xF000] =	vst v2  }
0x198: {  	v2 =	vld.idx.msk [tilespmem:v3+s20+$0x0], $0xffff;
	_ =	sdelay $0x4  }
0x199: {  	v2 =	vmul.f32 v2, v0;
	_ =	sdelay $0x1  }
0x19a: {  	[tilespmem:s0+$0xB010] =	vst v2;
	v2 =	vld [tilespmem:s0+$0x20]  }
0x19b: {  	v4 =	vld.idx.msk [tilespmem:v3+s21+$0x0], $0xffff;
	_ =	sdelay $0x3  }
0x19c: {  	v2 =	vsub.s32 v2, v1  }
0x19d: {  	[tilespmem:s0+$0xD010] =	vst v4;
	vm10 =	vgt.s32 v2, $0x0  }
0x19e: {  	v3 =	vld.idx.msk [tilespmem:v3+s22+$0x0], $0xffff;
	v2 =	vnsel vm10, $0x0, v2  }
0x19f: {  	v2 =	vmin.u32 v2, $0x2FFF;
	_ =	sdelay $0x3  }
0x1a0: {  	[tilespmem:s0+$0xF010] =	vst v3  }
0x1a1: {  	v3 =	vld.idx.msk [tilespmem:v2+s20+$0x0], $0xffff;
	_ =	sdelay $0x4  }
0x1a2: {  	v3 =	vmul.f32 v3, v0;
	_ =	sdelay $0x1  }
0x1a3: {  	[tilespmem:s0+$0xB020] =	vst v3;
	v3 =	vld [tilespmem:s0+$0x30]  }
0x1a4: {  	v4 =	vld.idx.msk [tilespmem:v2+s21+$0x0], $0xffff;
	_ =	sdelay $0x3  }
0x1a5: {  	v3 =	vsub.s32 v3, v1  }
0x1a6: {  	[tilespmem:s0+$0xD020] =	vst v4;
	vm11 =	vgt.s32 v3, $0x0  }
0x1a7: {  	v2 =	vld.idx.msk [tilespmem:v2+s22+$0x0], $0xffff;
	v3 =	vnsel vm11, $0x0, v3  }
0x1a8: {  	v3 =	vmin.u32 v3, $0x2FFF;
	_ =	sdelay $0x3  }
0x1a9: {  	[tilespmem:s0+$0xF020] =	vst v2  }
0x1aa: {  	v2 =	vld.idx.msk [tilespmem:v3+s20+$0x0], $0xffff;
	_ =	sdelay $0x4  }
0x1ab: {  	v2 =	vmul.f32 v2, v0;
	_ =	sdelay $0x1  }
0x1ac: {  	[tilespmem:s0+$0xB030] =	vst v2;
	v2 =	vld [tilespmem:s0+$0x40]  }
0x1ad: {  	v4 =	vld.idx.msk [tilespmem:v3+s21+$0x0], $0xffff;
	_ =	sdelay $0x3  }
0x1ae: {  	v2 =	vsub.s32 v2, v1  }
0x1af: {  	[tilespmem:s0+$0xD030] =	vst v4;
	vm12 =	vgt.s32 v2, $0x0  }
0x1b0: {  	v3 =	vld.idx.msk [tilespmem:v3+s22+$0x0], $0xffff;
	v2 =	vnsel vm12, $0x0, v2  }
0x1b1: {  	v2 =	vmin.u32 v2, $0x2FFF;
	_ =	sdelay $0x3  }
0x1b2: {  	[tilespmem:s0+$0xF030] =	vst v3  }
0x1b3: {  	v3 =	vld.idx.msk [tilespmem:v2+s20+$0x0], $0xffff;
	_ =	sdelay $0x4  }
0x1b4: {  	v3 =	vmul.f32 v3, v0;
	_ =	sdelay $0x1  }
0x1b5: {  	[tilespmem:s0+$0xB040] =	vst v3;
	v3 =	vld [tilespmem:s0+$0x50]  }
0x1b6: {  	v4 =	vld.idx.msk [tilespmem:v2+s21+$0x0], $0xffff;
	_ =	sdelay $0x3  }
0x1b7: {  	v3 =	vsub.s32 v3, v1  }
0x1b8: {  	[tilespmem:s0+$0xD040] =	vst v4;
	vm13 =	vgt.s32 v3, $0x0  }
0x1b9: {  	v2 =	vld.idx.msk [tilespmem:v2+s22+$0x0], $0xffff;
	v3 =	vnsel vm13, $0x0, v3  }
0x1ba: {  	v3 =	vmin.u32 v3, $0x2FFF;
	_ =	sdelay $0x3  }
0x1bb: {  	[tilespmem:s0+$0xF040] =	vst v2  }
0x1bc: {  	v2 =	vld.idx.msk [tilespmem:v3+s20+$0x0], $0xffff;
	_ =	sdelay $0x4  }
0x1bd: {  	v2 =	vmul.f32 v2, v0;
	_ =	sdelay $0x1  }
0x1be: {  	[tilespmem:s0+$0xB050] =	vst v2;
	v2 =	vld [tilespmem:s0+$0x60]  }
0x1bf: {  	v4 =	vld.idx.msk [tilespmem:v3+s21+$0x0], $0xffff;
	_ =	sdelay $0x3  }
0x1c0: {  	v2 =	vsub.s32 v2, v1  }
0x1c1: {  	[tilespmem:s0+$0xD050] =	vst v4;
	vm14 =	vgt.s32 v2, $0x0  }
0x1c2: {  	v3 =	vld.idx.msk [tilespmem:v3+s22+$0x0], $0xffff;
	v2 =	vnsel vm14, $0x0, v2  }
0x1c3: {  	v2 =	vmin.u32 v2, $0x2FFF;
	_ =	sdelay $0x3  }
0x1c4: {  	[tilespmem:s0+$0xF050] =	vst v3  }
0x1c5: {  	v3 =	vld.idx.msk [tilespmem:v2+s20+$0x0], $0xffff;
	_ =	sdelay $0x4  }
0x1c6: {  	v3 =	vmul.f32 v3, v0;
	_ =	sdelay $0x1  }
0x1c7: {  	[tilespmem:s0+$0xB060] =	vst v3;
	v3 =	vld [tilespmem:s0+$0x70]  }
0x1c8: {  	v4 =	vld.idx.msk [tilespmem:v2+s21+$0x0], $0xffff;
	_ =	sdelay $0x3  }
0x1c9: {  	v3 =	vsub.s32 v3, v1  }
0x1ca: {  	[tilespmem:s0+$0xD060] =	vst v4;
	vm15 =	vgt.s32 v3, $0x0  }
0x1cb: {  	v4 =	vld.idx.msk [tilespmem:v2+s22+$0x0], $0xffff;
	v2 =	vnsel vm15, $0x0, v3  }
0x1cc: {  	v2 =	vmin.u32 v2, $0x2FFF;
	_ =	sdelay $0x3  }
0x1cd: {  	[tilespmem:s0+$0xF060] =	vst v4  }
0x1ce: {  	v3 =	vld.idx.msk [tilespmem:v2+s20+$0x0], $0xffff;
	_ =	sdelay $0x4  }
0x1cf: {  	v3 =	vmul.f32 v3, v0;
	_ =	sdelay $0x1  }
0x1d0: {  	[tilespmem:s0+$0xB070] =	vst v3  }
0x1d1: {  	s29 =	simm.s32 $0x80;
	s6 =	simm.s32 $0x400;
	v3 =	vld.idx.msk [tilespmem:v2+s21+$0x0], $0xffff  }
.LBB2_13:
0x1d2: {  	p1 =	sne.s32 s6, $0x7400;
	v4 =	vld [tilespmem:s29+$0x0];
	_ =	sdelay $0x4  }
0x1d3: {  	v4 =	vsub.s32 v4, v1;
	[tilespmem:s0+$0xD070] =	vst v3  }
0x1d4: {  	vm0 =	vgt.s32 v4, $0x0;
	v2 =	vld.idx.msk [tilespmem:v2+s22+$0x0], $0xffff  }
0x1d5: {  	v3 =	vnsel vm0, $0x0, v4  }
0x1d6: {  	v3 =	vmin.u32 v3, $0x2FFF;
	_ =	sdelay $0x3  }
0x1d7: {  	[tilespmem:s0+$0xF070] =	vst v2;
	s0 =	smov.u32 s29  }
0x1d8: {  	v2 =	vld.idx.msk [tilespmem:v3+s20+$0x0], $0xffff;
	_ =	sdelay $0x5  }
0x1d9: {  	v2 =	vmul.f32 v2, v0;
	_ =	sdelay $0x1  }
0x1da: {  	[tilespmem:s0+$0xB000] =	vst v2  }
0x1db: {  	v2 =	vld.idx.msk [tilespmem:v3+s21+$0x0], $0xffff  }
0x1dc: {  	v4 =	vld [tilespmem:s0+$0x10];
	_ =	sdelay $0x4  }
0x1dd: {  	[tilespmem:s0+$0xD000] =	vst v2;
	v2 =	vsub.s32 v4, v1  }
0x1de: {  	v3 =	vld.idx.msk [tilespmem:v3+s22+$0x0], $0xffff;
	vm0 =	vgt.s32 v2, $0x0  }
0x1df: {  	v2 =	vnsel vm0, $0x0, v2  }
0x1e0: {  	v2 =	vmin.u32 v2, $0x2FFF;
	_ =	sdelay $0x3  }
0x1e1: {  	[tilespmem:s0+$0xF000] =	vst v3  }
0x1e2: {  	v3 =	vld.idx.msk [tilespmem:v2+s20+$0x0], $0xffff;
	_ =	sdelay $0x5  }
0x1e3: {  	v3 =	vmul.f32 v3, v0;
	_ =	sdelay $0x1  }
0x1e4: {  	[tilespmem:s0+$0xB010] =	vst v3  }
0x1e5: {  	v3 =	vld.idx.msk [tilespmem:v2+s21+$0x0], $0xffff  }
0x1e6: {  	v4 =	vld [tilespmem:s0+$0x20];
	_ =	sdelay $0x4  }
0x1e7: {  	[tilespmem:s0+$0xD010] =	vst v3;
	v3 =	vsub.s32 v4, v1  }
0x1e8: {  	v2 =	vld.idx.msk [tilespmem:v2+s22+$0x0], $0xffff;
	vm0 =	vgt.s32 v3, $0x0  }
0x1e9: {  	v3 =	vnsel vm0, $0x0, v3  }
0x1ea: {  	v3 =	vmin.u32 v3, $0x2FFF;
	_ =	sdelay $0x3  }
0x1eb: {  	[tilespmem:s0+$0xF010] =	vst v2  }
0x1ec: {  	v2 =	vld.idx.msk [tilespmem:v3+s20+$0x0], $0xffff;
	_ =	sdelay $0x5  }
0x1ed: {  	v2 =	vmul.f32 v2, v0;
	_ =	sdelay $0x1  }
0x1ee: {  	[tilespmem:s0+$0xB020] =	vst v2  }
0x1ef: {  	v2 =	vld.idx.msk [tilespmem:v3+s21+$0x0], $0xffff  }
0x1f0: {  	v4 =	vld [tilespmem:s0+$0x30];
	_ =	sdelay $0x4  }
0x1f1: {  	[tilespmem:s0+$0xD020] =	vst v2;
	v2 =	vsub.s32 v4, v1  }
0x1f2: {  	v3 =	vld.idx.msk [tilespmem:v3+s22+$0x0], $0xffff;
	vm0 =	vgt.s32 v2, $0x0  }
0x1f3: {  	v2 =	vnsel vm0, $0x0, v2  }
0x1f4: {  	v2 =	vmin.u32 v2, $0x2FFF;
	_ =	sdelay $0x3  }
0x1f5: {  	[tilespmem:s0+$0xF020] =	vst v3  }
0x1f6: {  	v3 =	vld.idx.msk [tilespmem:v2+s20+$0x0], $0xffff;
	_ =	sdelay $0x5  }
0x1f7: {  	v3 =	vmul.f32 v3, v0;
	_ =	sdelay $0x1  }
0x1f8: {  	[tilespmem:s0+$0xB030] =	vst v3  }
0x1f9: {  	v3 =	vld.idx.msk [tilespmem:v2+s21+$0x0], $0xffff  }
0x1fa: {  	v4 =	vld [tilespmem:s0+$0x40];
	_ =	sdelay $0x4  }
0x1fb: {  	[tilespmem:s0+$0xD030] =	vst v3;
	v3 =	vsub.s32 v4, v1  }
0x1fc: {  	v2 =	vld.idx.msk [tilespmem:v2+s22+$0x0], $0xffff;
	vm0 =	vgt.s32 v3, $0x0  }
0x1fd: {  	v3 =	vnsel vm0, $0x0, v3  }
0x1fe: {  	v3 =	vmin.u32 v3, $0x2FFF;
	_ =	sdelay $0x3  }
0x1ff: {  	[tilespmem:s0+$0xF030] =	vst v2  }
0x200: {  	v2 =	vld.idx.msk [tilespmem:v3+s20+$0x0], $0xffff;
	_ =	sdelay $0x5  }
0x201: {  	v2 =	vmul.f32 v2, v0;
	_ =	sdelay $0x1  }
0x202: {  	[tilespmem:s0+$0xB040] =	vst v2  }
0x203: {  	v2 =	vld.idx.msk [tilespmem:v3+s21+$0x0], $0xffff  }
0x204: {  	v4 =	vld [tilespmem:s0+$0x50];
	_ =	sdelay $0x4  }
0x205: {  	[tilespmem:s0+$0xD040] =	vst v2;
	v2 =	vsub.s32 v4, v1  }
0x206: {  	v3 =	vld.idx.msk [tilespmem:v3+s22+$0x0], $0xffff;
	vm0 =	vgt.s32 v2, $0x0  }
0x207: {  	v2 =	vnsel vm0, $0x0, v2  }
0x208: {  	v2 =	vmin.u32 v2, $0x2FFF;
	_ =	sdelay $0x3  }
0x209: {  	[tilespmem:s0+$0xF040] =	vst v3  }
0x20a: {  	v3 =	vld.idx.msk [tilespmem:v2+s20+$0x0], $0xffff;
	_ =	sdelay $0x5  }
0x20b: {  	v3 =	vmul.f32 v3, v0;
	_ =	sdelay $0x1  }
0x20c: {  	[tilespmem:s0+$0xB050] =	vst v3  }
0x20d: {  	v3 =	vld.idx.msk [tilespmem:v2+s21+$0x0], $0xffff  }
0x20e: {  	v4 =	vld [tilespmem:s0+$0x60];
	_ =	sdelay $0x4  }
0x20f: {  	[tilespmem:s0+$0xD050] =	vst v3;
	v3 =	vsub.s32 v4, v1  }
0x210: {  	v2 =	vld.idx.msk [tilespmem:v2+s22+$0x0], $0xffff;
	vm0 =	vgt.s32 v3, $0x0  }
0x211: {  	v3 =	vnsel vm0, $0x0, v3  }
0x212: {  	v3 =	vmin.u32 v3, $0x2FFF;
	_ =	sdelay $0x3  }
0x213: {  	[tilespmem:s0+$0xF050] =	vst v2  }
0x214: {  	v2 =	vld.idx.msk [tilespmem:v3+s20+$0x0], $0xffff;
	_ =	sdelay $0x5  }
0x215: {  	v2 =	vmul.f32 v2, v0;
	_ =	sdelay $0x1  }
0x216: {  	[tilespmem:s0+$0xB060] =	vst v2  }
0x217: {  	v2 =	vld.idx.msk [tilespmem:v3+s21+$0x0], $0xffff  }
0x218: {  	v4 =	vld [tilespmem:s0+$0x70];
	_ =	sdelay $0x4  }
0x219: {  	[tilespmem:s0+$0xD060] =	vst v2;
	v2 =	vsub.s32 v4, v1  }
0x21a: {  	v3 =	vld.idx.msk [tilespmem:v3+s22+$0x0], $0xffff;
	vm0 =	vgt.s32 v2, $0x0  }
0x21b: {  	v2 =	vnsel vm0, $0x0, v2  }
0x21c: {  	v2 =	vmin.u32 v2, $0x2FFF;
	_ =	sdelay $0x3  }
0x21d: {  	[tilespmem:s0+$0xF060] =	vst v3  }
0x21e: {  	v3 =	vld.idx.msk [tilespmem:v2+s20+$0x0], $0xffff;
	_ =	sdelay $0x4  }
.Ltmp11:
0x21f: {  	(pc) =	sbr.rel @p1 .LBB2_13-.Ltmp11, $3  }
0x220: {  	v3 =	vmul.f32 v3, v0;
	_ =	sdelay $0x1  }
0x221: {  	[tilespmem:s0+$0xB070] =	vst v3  }
0x222: {  	s29 =	sshra.s32 s6, $0x2;
	s6 =	sadd.s32 $0x200, s6;
	v3 =	vld.idx.msk [tilespmem:v2+s21+$0x0], $0xffff  }
0x223: {  	v4 =	vld [tilespmem:s29+$0x0];
	_ =	sdelay $0x4  }
0x224: {  	v4 =	vsub.s32 v4, v1  }
0x225: {  	[tilespmem:s0+$0xD070] =	vst v3;
	vm0 =	vgt.s32 v4, $0x0  }
0x226: {  	v2 =	vld.idx.msk [tilespmem:v2+s22+$0x0], $0xffff;
	v52 =	vnsel vm0, $0x0, v4  }
0x227: {  	v3 =	vmin.u32 v52, $0x2FFF;
	_ =	sdelay $0x3  }
0x228: {  	[tilespmem:s0+$0xF070] =	vst v2  }
0x229: {  	v2 =	vld.idx.msk [tilespmem:v3+s20+$0x0], $0xffff;
	_ =	sdelay $0x4  }
0x22a: {  	v2 =	vmul.f32 v2, v0;
	_ =	sdelay $0x1  }
0x22b: {  	v53 =	vld [tilespmem:s29+$0x10];
	[tilespmem:s29+$0xB000] =	vst v2  }
0x22c: {  	v54 =	vld.idx.msk [tilespmem:v3+s21+$0x0], $0xffff;
	_ =	sdelay $0x3  }
0x22d: {  	v2 =	vsub.s32 v53, v1  }
0x22e: {  	vm7 =	vgt.s32 v2, $0x0;
	[tilespmem:s29+$0xD000] =	vst v54  }
0x22f: {  	v2 =	vnsel vm7, $0x0, v2;
	v3 =	vld.idx.msk [tilespmem:v3+s22+$0x0], $0xffff  }
0x230: {  	v2 =	vmin.u32 v2, $0x2FFF;
	_ =	sdelay $0x3  }
0x231: {  	[tilespmem:s29+$0xF000] =	vst v3  }
0x232: {  	v3 =	vld.idx.msk [tilespmem:v2+s20+$0x0], $0xffff;
	_ =	sdelay $0x4  }
0x233: {  	v3 =	vmul.f32 v3, v0;
	_ =	sdelay $0x1  }
0x234: {  	v55 =	vld [tilespmem:s29+$0x20];
	[tilespmem:s29+$0xB010] =	vst v3  }
0x235: {  	v4 =	vld.idx.msk [tilespmem:v2+s21+$0x0], $0xffff;
	_ =	sdelay $0x3  }
0x236: {  	v3 =	vsub.s32 v55, v1  }
0x237: {  	vm8 =	vgt.s32 v3, $0x0;
	[tilespmem:s29+$0xD010] =	vst v4  }
0x238: {  	v3 =	vnsel vm8, $0x0, v3;
	v2 =	vld.idx.msk [tilespmem:v2+s22+$0x0], $0xffff  }
0x239: {  	v3 =	vmin.u32 v3, $0x2FFF;
	_ =	sdelay $0x3  }
0x23a: {  	[tilespmem:s29+$0xF010] =	vst v2  }
0x23b: {  	v2 =	vld.idx.msk [tilespmem:v3+s20+$0x0], $0xffff;
	_ =	sdelay $0x4  }
0x23c: {  	v2 =	vmul.f32 v2, v0;
	_ =	sdelay $0x1  }
0x23d: {  	v56 =	vld [tilespmem:s29+$0x30];
	[tilespmem:s29+$0xB020] =	vst v2  }
0x23e: {  	v4 =	vld.idx.msk [tilespmem:v3+s21+$0x0], $0xffff;
	_ =	sdelay $0x3  }
0x23f: {  	v2 =	vsub.s32 v56, v1  }
0x240: {  	vm9 =	vgt.s32 v2, $0x0;
	[tilespmem:s29+$0xD020] =	vst v4  }
0x241: {  	v2 =	vnsel vm9, $0x0, v2;
	v3 =	vld.idx.msk [tilespmem:v3+s22+$0x0], $0xffff  }
0x242: {  	v2 =	vmin.u32 v2, $0x2FFF;
	_ =	sdelay $0x3  }
0x243: {  	[tilespmem:s29+$0xF020] =	vst v3  }
0x244: {  	v3 =	vld.idx.msk [tilespmem:v2+s20+$0x0], $0xffff;
	_ =	sdelay $0x4  }
0x245: {  	v3 =	vmul.f32 v3, v0;
	_ =	sdelay $0x1  }
0x246: {  	v57 =	vld [tilespmem:s29+$0x40];
	[tilespmem:s29+$0xB030] =	vst v3  }
0x247: {  	v4 =	vld.idx.msk [tilespmem:v2+s21+$0x0], $0xffff;
	_ =	sdelay $0x3  }
0x248: {  	v3 =	vsub.s32 v57, v1  }
0x249: {  	vm10 =	vgt.s32 v3, $0x0;
	[tilespmem:s29+$0xD030] =	vst v4  }
0x24a: {  	v3 =	vnsel vm10, $0x0, v3;
	v2 =	vld.idx.msk [tilespmem:v2+s22+$0x0], $0xffff  }
0x24b: {  	v3 =	vmin.u32 v3, $0x2FFF;
	_ =	sdelay $0x3  }
0x24c: {  	[tilespmem:s29+$0xF030] =	vst v2  }
0x24d: {  	v2 =	vld.idx.msk [tilespmem:v3+s20+$0x0], $0xffff;
	_ =	sdelay $0x4  }
0x24e: {  	v2 =	vmul.f32 v2, v0;
	_ =	sdelay $0x1  }
0x24f: {  	v58 =	vld [tilespmem:s29+$0x50];
	[tilespmem:s29+$0xB040] =	vst v2  }
0x250: {  	v4 =	vld.idx.msk [tilespmem:v3+s21+$0x0], $0xffff;
	_ =	sdelay $0x3  }
0x251: {  	v2 =	vsub.s32 v58, v1  }
0x252: {  	vm11 =	vgt.s32 v2, $0x0;
	[tilespmem:s29+$0xD040] =	vst v4  }
0x253: {  	v2 =	vnsel vm11, $0x0, v2;
	v3 =	vld.idx.msk [tilespmem:v3+s22+$0x0], $0xffff  }
0x254: {  	v2 =	vmin.u32 v2, $0x2FFF;
	_ =	sdelay $0x3  }
0x255: {  	[tilespmem:s29+$0xF040] =	vst v3  }
0x256: {  	v3 =	vld.idx.msk [tilespmem:v2+s20+$0x0], $0xffff;
	_ =	sdelay $0x4  }
0x257: {  	v3 =	vmul.f32 v3, v0;
	_ =	sdelay $0x1  }
0x258: {  	v59 =	vld [tilespmem:s29+$0x60];
	[tilespmem:s29+$0xB050] =	vst v3  }
0x259: {  	v4 =	vld.idx.msk [tilespmem:v2+s21+$0x0], $0xffff;
	_ =	sdelay $0x3  }
0x25a: {  	v3 =	vsub.s32 v59, v1  }
0x25b: {  	vm12 =	vgt.s32 v3, $0x0;
	[tilespmem:s29+$0xD050] =	vst v4  }
0x25c: {  	v3 =	vnsel vm12, $0x0, v3;
	v2 =	vld.idx.msk [tilespmem:v2+s22+$0x0], $0xffff  }
0x25d: {  	v3 =	vmin.u32 v3, $0x2FFF;
	_ =	sdelay $0x3  }
0x25e: {  	[tilespmem:s29+$0xF050] =	vst v2  }
0x25f: {  	v2 =	vld.idx.msk [tilespmem:v3+s20+$0x0], $0xffff;
	_ =	sdelay $0x4  }
0x260: {  	v2 =	vmul.f32 v2, v0;
	_ =	sdelay $0x1  }
0x261: {  	v60 =	vld [tilespmem:s29+$0x70];
	[tilespmem:s29+$0xB060] =	vst v2  }
0x262: {  	v4 =	vld.idx.msk [tilespmem:v3+s21+$0x0], $0xffff;
	_ =	sdelay $0x3  }
0x263: {  	v2 =	vsub.s32 v60, v1  }
0x264: {  	vm13 =	vgt.s32 v2, $0x0;
	[tilespmem:s29+$0xD060] =	vst v4  }
0x265: {  	v2 =	vnsel vm13, $0x0, v2;
	v3 =	vld.idx.msk [tilespmem:v3+s22+$0x0], $0xffff  }
0x266: {  	v2 =	vmin.u32 v2, $0x2FFF;
	_ =	sdelay $0x3  }
0x267: {  	[tilespmem:s29+$0xF060] =	vst v3  }
0x268: {  	v3 =	vld.idx.msk [tilespmem:v2+s20+$0x0], $0xffff;
	_ =	sdelay $0x4  }
0x269: {  	v3 =	vmul.f32 v3, v0;
	_ =	sdelay $0x1  }
0x26a: {  	[tilespmem:s29+$0xB070] =	vst v3  }
0x26b: {  	v3 =	vld.idx.msk [tilespmem:v2+s21+$0x0], $0xffff;
	_ =	sdelay $0x4  }
0x26c: {  	[tilespmem:s29+$0xD070] =	vst v3  }
0x26d: {  	v2 =	vld.idx.msk [tilespmem:v2+s22+$0x0], $0xffff;
	_ =	sdelay $0x4  }
0x26e: {  	[tilespmem:s29+$0xF070] =	vst v2  }
0x26f: {  	v2 =	vld [tilespmem:$0x1D80];
	_ =	sdelay $0x4  }
0x270: {  	v2 =	vsub.s32 v2, v1  }
0x271: {  	vm14 =	vgt.s32 v2, $0x0  }
0x272: {  	v2 =	vnsel vm14, $0x0, v2  }
0x273: {  	v2 =	vmin.u32 v2, $0x2FFF;
	_ =	sdelay $0x4  }
0x274: {  	v3 =	vld.idx.msk [tilespmem:v2+s20+$0x0], $0xffff;
	_ =	sdelay $0x4  }
0x275: {  	v3 =	vmul.f32 v3, v0;
	_ =	sdelay $0x1  }
0x276: {  	v61 =	vld [tilespmem:$0x1D90];
	[tilespmem:$0xCD80] =	vst v3  }
0x277: {  	v4 =	vld.idx.msk [tilespmem:v2+s21+$0x0], $0xffff;
	_ =	sdelay $0x3  }
0x278: {  	v62 =	vsub.s32 v61, v1  }
0x279: {  	vm15 =	vgt.s32 v62, $0x0;
	[tilespmem:$0xED80] =	vst v4  }
0x27a: {  	v1 =	vnsel vm15, $0x0, v62;
	v2 =	vld.idx.msk [tilespmem:v2+s22+$0x0], $0xffff  }
0x27b: {  	v1 =	vmin.u32 v1, $0x2FFF;
	_ =	sdelay $0x3  }
0x27c: {  	[tilespmem:$0x10D80] =	vst v2  }
0x27d: {  	v2 =	vld.idx.msk [tilespmem:v1+s20+$0x0], $0xffff;
	_ =	sdelay $0x4  }
0x27e: {  	v63 =	vmul.f32 v2, v0;
	_ =	sdelay $0x1  }
0x27f: {  	[tilespmem:$0xCD90] =	vst v63  }
0x280: {  	v0 =	vld.idx.msk [tilespmem:v1+s21+$0x0], $0xffff;
	_ =	sdelay $0x4  }
0x281: {  	[tilespmem:$0xED90] =	vst v0  }
0x282: {  	v0 =	vld.idx.msk [tilespmem:v1+s22+$0x0], $0xffff  }
.Ltmp12:
0x283: {  	_ = 	snop;
	(pc) =	sbr.rel .LBB2_18-.Ltmp12, $2  }
0x284: {  	_ =	sdelay $0x2  }
0x285: {  	[tilespmem:$0x10D90] =	vst v0  }
.LBB2_15:
0x286: {  	s0 =	simm.s32 $0x0;
	s6 =	simm.s32 $0x1D99  }
0x287: {  	[tilespmem:s26], [sflag:$0x1] =	stream.indirect.gather [hbm4b:s1+s6], $0x1, s0, s6, $0xb8;
	[tilespmem:$0x11080] =	vst v63  }
0x288: {  	_ = 	snop  }
0x289: {  	[tilespmem:s24], [sflag:$0x1] =	stream.indirect.gather [hbm4b:s7+s6], $0x1, s0, s6, $0xb8;
	[tilespmem:$0x11080] =	vst v63  }
0x28a: {  	_ = 	snop  }
0x28b: {  	[tilespmem:s25], [sflag:$0x1] =	stream.indirect.gather [hbm4b:s2+s6], $0x1, s0, s6, $0xb8;
	[tilespmem:$0x11080] =	vst v63  }
0x28c: {  	_ =	swait.ge [sflag:s23], $0x1D99  }
0x28d: {  	[sflag:s23] =	ssyncset.done $0x0  }
0x28e: {  	[sflag:s23] =	ssyncadd.s32 $0xFFFFE267  }
0x28f: {  	_ =	swait.ge [sflag:s23], $0x1D99  }
0x290: {  	[sflag:s23] =	ssyncset.done $0x0  }
0x291: {  	[sflag:s23] =	ssyncadd.s32 $0xFFFFE267  }
0x292: {  	_ =	swait.ge [sflag:s23], $0x1D99  }
0x293: {  	[sflag:s23] =	ssyncset.done $0x0  }
0x294: {  	s0 =	simm.s32 $0x0;
	[sflag:s23] =	ssyncadd.s32 $0xFFFFE267  }
0x295: {  	v4 =	vld [tilespmem:s0+$0xB000]  }
0x296: {  	v6 =	vld [tilespmem:s0+$0xB010]  }
0x297: {  	v5 =	vld [tilespmem:s0+$0xB020]  }
0x298: {  	v3 =	vld [tilespmem:s0+$0xB030]  }
0x299: {  	v1 =	vld [tilespmem:s0+$0xB040]  }
0x29a: {  	v2 =	vld [tilespmem:s0+$0xB050];
	v7 =	vmul.f32 v4, v0  }
0x29b: {  	s6 =	simm.s32 $0x200;
	v6 =	vmul.f32 v6, v0;
	v4 =	vld [tilespmem:s0+$0xB060]  }
.LBB2_16:
0x29c: {  	s13 =	sshra.s32 s6, $0x2;
	p1 =	sne.s32 s6, $0x7400;
	[tilespmem:s0+$0xB000] =	vst v7;
	v5 =	vmul.f32 v5, v0;
	v7 =	vld [tilespmem:s0+$0xB070]  }
0x29d: {  	v8 =	vld [tilespmem:s13+$0xB000];
	[tilespmem:s0+$0xB010] =	vst v6;
	v3 =	vmul.f32 v3, v0  }
0x29e: {  	v6 =	vld [tilespmem:s13+$0xB010];
	[tilespmem:s0+$0xB020] =	vst v5;
	v1 =	vmul.f32 v1, v0  }
.Ltmp13:
0x29f: {  	v5 =	vld [tilespmem:s13+$0xB020];
	[tilespmem:s0+$0xB030] =	vst v3;
	v2 =	vmul.f32 v2, v0;
	(pc) =	sbr.rel @p1 .LBB2_16-.Ltmp13, $4  }
0x2a0: {  	v3 =	vld [tilespmem:s13+$0xB030];
	[tilespmem:s0+$0xB040] =	vst v1;
	v4 =	vmul.f32 v4, v0  }
0x2a1: {  	v1 =	vld [tilespmem:s13+$0xB040];
	[tilespmem:s0+$0xB050] =	vst v2;
	v9 =	vmul.f32 v7, v0  }
0x2a2: {  	v7 =	vmul.f32 v8, v0;
	v2 =	vld [tilespmem:s13+$0xB050];
	[tilespmem:s0+$0xB060] =	vst v4  }
0x2a3: {  	s6 =	sadd.s32 $0x200, s6;
	v6 =	vmul.f32 v6, v0;
	v4 =	vld [tilespmem:s13+$0xB060];
	[tilespmem:s0+$0xB070] =	vst v9;
	s0 =	smov.u32 s13  }
0x2a4: {  	v60 =	vld [tilespmem:s0+$0xB070]  }
0x2a5: {  	[tilespmem:s0+$0xB000] =	vst v7;
	v5 =	vmul.f32 v5, v0  }
0x2a6: {  	[tilespmem:s0+$0xB010] =	vst v6;
	v3 =	vmul.f32 v3, v0  }
0x2a7: {  	[tilespmem:s0+$0xB020] =	vst v5;
	v2 =	vmul.f32 v2, v0  }
0x2a8: {  	[tilespmem:s0+$0xB030] =	vst v3;
	v61 =	vmul.f32 v4, v0  }
0x2a9: {  	[tilespmem:s0+$0xB050] =	vst v2;
	v62 =	vmul.f32 v60, v0  }
0x2aa: {  	v1 =	vmul.f32 v1, v0;
	[tilespmem:s0+$0xB060] =	vst v61  }
0x2ab: {  	[tilespmem:s0+$0xB070] =	vst v62  }
0x2ac: {  	[tilespmem:s0+$0xB040] =	vst v1;
	v1 =	vld [tilespmem:$0xCD80]  }
0x2ad: {  	v2 =	vld [tilespmem:$0xCD90];
	_ =	sdelay $0x2  }
.Ltmp14:
0x2ae: {  	_ = 	snop;
	(pc) =	sbr.rel .LBB2_18-.Ltmp14, $4  }
0x2af: {  	v1 =	vmul.f32 v1, v0  }
0x2b0: {  	v63 =	vmul.f32 v2, v0  }
0x2b1: {  	[tilespmem:$0xCD80] =	vst v1  }
0x2b2: {  	[tilespmem:$0xCD90] =	vst v63  }
.LBB2_20:
0x2b3: {  	_ =	sfence.sel $0x180000  }
0x2b4: {  	[bflag:$0x0] =	sbarrier.arrive $0xFFFF  }
0x2b5: {  	_ =	strace $0x90000047  }
0x2b6: {  	s0 =	stileid.u32;
	[bflag:$0x2] =	sbarrier.arrive $0xFFFF  }
0x2b7: {  	p0 =	sne.s32 s0, $0x0;
	s0 =	rddreg [dreg:$0x5]  }
0x2b8: {  	s0 =	sadd.s32 @!p0 $0x100000, s0  }
0x2b9: {  	[sflag:s0] =	ssyncadd.tile.s32 @!p0 $0x1;
	_ =	shalt  }
.Lfunc_end2:
_tile_overlayer_lowered:
.L_overlay_start_2:
0x2ba: {  	(tag) =	ssettag $0x2  }
0x2bb: {  	s0 =	rddreg [dreg:$0x0];
	s2 =	stileid.u32  }
0x2bc: {  	s1 =	rddreg [dreg:$0x1];
	p0 =	sne.s32 s2, $0x0  }
0x2bd: {  	s3 =	rddreg [dreg:$0x2];
	[bflag:$0x3] =	sbarrier.arrive $0xFFFF;
	s2 =	simm.s32 @!p0 $0x1C03  }
0x2be: {  	[timem:s3], [sflag:s2] =	dma.local @!p0 [hbm:s0], s1  }
0x2bf: {  	s0 =	simm.s32 @!p0 $0x3  }
0x2c0: {  	_ =	swait.ge @!p0 [sflag:s0], s1  }
0x2c1: {  	s1 =	ssub.s32 @!p0 $0x0, s1;
	[sflag:s0] =	ssyncset.done @!p0 $0x0  }
0x2c2: {  	[sflag:s0] =	ssyncadd.s32 @!p0 s1  }
0x2c3: {  	[bflag:$0x3] =	sbarrier.arrive $0xFFFF  }
0x2c4: {  	_ =	shalt  }

</sc_bundles>
